<compile_context>
chip_gen: v7x
topology: tpu7x:2x2x1
jax: 0.10.2.dev20260603
libtpu: 0.0.44.dev20260713+nightly
codegen_flags: <defaults>
</compile_context>

<pallas_src>
import functools

import jax
import jax.numpy as jnp
from jax import lax
from jax.experimental import pallas as pl
from jax.experimental.pallas import tpu as pltpu
from jax.experimental.pallas import tpu_sc as plsc

POOL_SIZE = 30
PROMPT_LEN = 5
TOP_K = 5
EMBED_DIM = 768
BATCH = 128
TOKENS = 196
TOK_BLK = 28

_NSLAB = TOP_K * PROMPT_LEN
_NSLAB_PAD = 32
_NSLAB_TC = 15
_NSLAB_SC = _NSLAB - _NSLAB_TC
_HALF = BATCH // 2


def _topk_body(x_ref, p_ref, idx_ref, idxb_ref, maxs, sums):
    i = pl.program_id(0)
    n = pl.num_programs(0)
    x = x_ref[...]
    bmax = jnp.max(x, axis=0)
    bsum = jnp.sum(x, axis=0)

    @pl.when(i == 0)
    def _():
        maxs[...] = bmax
        sums[...] = bsum

    @pl.when(i > 0)
    def _():
        maxs[...] = jnp.maximum(maxs[...], bmax)
        sums[...] = sums[...] + bsum

    @pl.when(i == n - 1)
    def _():
        embed_keys = maxs[...] + 2.0 * (sums[...] * (1.0 / TOKENS))
        keys = jnp.sum(p_ref[...], axis=0) * (1.0 / PROMPT_LEN)

        def l2(v):
            ss = jnp.sum(v * v, axis=1, keepdims=True)
            return v * lax.rsqrt(jnp.maximum(ss, 1e-12))

        sim = lax.dot_general(
            l2(embed_keys), l2(keys),
            dimension_numbers=(((1,), (1,)), ((), ())),
            preferred_element_type=jnp.float32)

        col = lax.broadcasted_iota(jnp.int32, sim.shape, 1)
        rows, cols = [], []
        for _ in range(TOP_K):
            m = jnp.max(sim, axis=1, keepdims=True)
            idx = jnp.min(jnp.where(sim == m, col, POOL_SIZE), axis=1)
            rows.extend((idx + t * POOL_SIZE)[None, :] for t in range(PROMPT_LEN))
            cols.extend((idx + t * POOL_SIZE)[:, None] for t in range(PROMPT_LEN))
            sim = jnp.where(col == idx[:, None], -jnp.inf, sim)
        rows.append(jnp.zeros((_NSLAB_PAD - _NSLAB, BATCH), jnp.int32))
        cols.append(jnp.zeros((BATCH, _NSLAB_PAD - _NSLAB), jnp.int32))
        idx_ref[...] = jnp.concatenate(rows, axis=0)
        idxb_ref[...] = jnp.concatenate(cols, axis=1)


def _topk_idx(x_t, p_t):
    return pl.pallas_call(
        _topk_body,
        grid=(TOKENS // TOK_BLK,),
        in_specs=[
            pl.BlockSpec((TOK_BLK, BATCH, EMBED_DIM), lambda i: (i, 0, 0)),
            pl.BlockSpec((PROMPT_LEN, POOL_SIZE, EMBED_DIM), lambda i: (0, 0, 0)),
        ],
        out_specs=[
            pl.BlockSpec((_NSLAB_PAD, BATCH), lambda i: (0, 0)),
            pl.BlockSpec((BATCH, _NSLAB_PAD), lambda i: (0, 0)),
        ],
        out_shape=[
            jax.ShapeDtypeStruct((_NSLAB_PAD, BATCH), jnp.int32),
            jax.ShapeDtypeStruct((BATCH, _NSLAB_PAD), jnp.int32),
        ],
        scratch_shapes=[
            pltpu.VMEM((BATCH, EMBED_DIM), jnp.float32),
            pltpu.VMEM((BATCH, EMBED_DIM), jnp.float32),
        ],
    )(x_t, p_t)


def _sc_gather(table, idx):
    mesh = plsc.VectorSubcoreMesh(core_axis_name="c", subcore_axis_name="s")

    @functools.partial(
        pl.kernel,
        mesh=mesh,
        out_type=jax.ShapeDtypeStruct((_NSLAB, BATCH, EMBED_DIM), jnp.float32),
        scratch_types=[
            pltpu.VMEM((BATCH,), jnp.int32),
            pltpu.VMEM((_HALF, EMBED_DIM), jnp.float32),
            pltpu.SemaphoreType.DMA,
        ],
    )
    def k(table_hbm, idx_hbm, out_hbm, idx_v, rows_v, sem):
        wid = lax.axis_index("s") * 2 + lax.axis_index("c")

        @pl.when(wid < 2 * _NSLAB_SC)
        def _():
            slab = _NSLAB_TC + lax.div(wid, 2)
            half = lax.rem(wid, 2)
            pltpu.sync_copy(idx_hbm.at[slab], idx_v)
            pltpu.async_copy(
                table_hbm.at[idx_v.at[pl.ds(half * _HALF, _HALF)]],
                rows_v, sem).wait()
            pltpu.sync_copy(rows_v, out_hbm.at[slab, pl.ds(half * _HALF, _HALF)])

    return k(table, idx)


def _tc_scatter_body(out_any, p_ref, idxb_ref, out_ref):
    s = pl.program_id(0)
    p = p_ref[...]
    idxm = idxb_ref[...]
    lane = lax.broadcasted_iota(jnp.int32, idxm.shape, 1)
    pool_iota = lax.broadcasted_iota(jnp.int32, (BATCH, POOL_SIZE), 1)
    slabs = []
    for t in range(PROMPT_LEN):
        j = s * PROMPT_LEN + t
        ids = jnp.sum(jnp.where(lane == j, idxm, 0), axis=1,
                      keepdims=True) - t * POOL_SIZE
        sel = (pool_iota == ids).astype(jnp.float32)
        slabs.append(lax.dot_general(
            sel, p[t],
            dimension_numbers=(((1,), (0,)), ((), ())),
            preferred_element_type=jnp.float32)[None])
    out_ref[...] = jnp.concatenate(slabs, axis=0)


def _tc_scatter(out_sc, p_t, idxb):
    return pl.pallas_call(
        _tc_scatter_body,
        grid=(_NSLAB_TC // PROMPT_LEN,),
        in_specs=[
            pl.BlockSpec(memory_space=pl.ANY),
            pl.BlockSpec((PROMPT_LEN, POOL_SIZE, EMBED_DIM),
                         lambda s: (0, 0, 0)),
            pl.BlockSpec((BATCH, _NSLAB_PAD), lambda s: (0, 0)),
        ],
        out_specs=pl.BlockSpec((PROMPT_LEN, BATCH, EMBED_DIM),
                               lambda s: (s, 0, 0)),
        out_shape=jax.ShapeDtypeStruct((_NSLAB, BATCH, EMBED_DIM),
                                       jnp.float32),
        input_output_aliases={0: 0},
    )(out_sc, p_t, idxb)


def kernel(input_embed, prompt):
    x_t = jnp.transpose(input_embed, (1, 0, 2))
    p_t = jnp.transpose(prompt, (1, 0, 2))
    idx, idxb = _topk_idx(x_t, p_t)
    table = p_t.reshape(PROMPT_LEN * POOL_SIZE, EMBED_DIM)
    out_sc = _sc_gather(table, idx)
    out_t = _tc_scatter(out_sc, p_t, idxb)
    return jnp.transpose(out_t, (1, 0, 2))

# --- scband reference (transcript-rebuilt; emitter-appended) ---
"""Pipeline reference for scband-prompt-pool-59622736003722 (READ-ONLY COPY).

The authoritative reference and input builder live on the scoring server;
editing this copy changes nothing except your own understanding.
"""

import jax, jax.numpy as jnp
import numpy as np

POOL_SIZE = 30
PROMPT_LEN = 5
TOP_K = 5
EMBED_DIM = 768


def l2_normalize(x, axis):
    square_sum = jnp.sum(x ** 2, axis=axis, keepdims=True)
    x_inv_norm = jax.lax.rsqrt(jnp.maximum(square_sum, jnp.asarray(1e-12, x.dtype)))
    return x * x_inv_norm


def setup_inputs(seed: int = 0) -> dict:
    key = jax.random.key(seed)
    k1, k2 = jax.random.split(key)
    input_embed = jax.random.normal(k1, (128, 196, EMBED_DIM), dtype=jnp.float32)
    prompt = jax.random.normal(k2, (POOL_SIZE, PROMPT_LEN, EMBED_DIM), dtype=jnp.float32)
    return {"input_embed": input_embed, "prompt": prompt}


def reference(input_embed, prompt):
    batch_size = input_embed.shape[0]
    # embedding_key == 'mean_max'
    embed_keys = jnp.max(input_embed, axis=1) + 2.0 * jnp.mean(input_embed, axis=1)
    # use_learnable_key == False -> keys derived from prompt
    keys = jnp.mean(prompt, axis=1)
    prompt_keys_l2 = l2_normalize(keys, axis=1)
    embed_keys_l2 = l2_normalize(embed_keys, axis=1)
    similarity = jnp.matmul(embed_keys_l2, prompt_keys_l2.T)
    _, ids = jax.lax.top_k(similarity, TOP_K)
    # random_idxs_prob = 0.0 (and eval mode) -> no random index replacement
    selected_prompts = prompt[ids].reshape(batch_size, TOP_K * PROMPT_LEN, -1)
    return selected_prompts

if __name__ == "__main__":
    import jax
    _d = setup_inputs()
    print(jax.jit(kernel)(*tuple(_d.values())))

</pallas_src>

<mosaic_0001>
#map = affine_map<(d0, d1) -> (0, 0)>
#map1 = affine_map<(d0, d1) -> (0, 0, 0)>
module attributes {stable_mosaic.version = 14 : i64} {
  func.func @k(%arg0: i32, %arg1: i32, %arg2: memref<150x768xf32, #tpu.memory_space<hbm>>, %arg3: memref<32x128xi32, #tpu.memory_space<hbm>>, %arg4: memref<25x128x768xf32, #tpu.memory_space<hbm>>, %arg5: memref<128xi32, #tpu.memory_space<vmem>>, %arg6: memref<64x768xf32, #tpu.memory_space<vmem>>, %arg7: memref<!tpu.dma_semaphore, #tpu.memory_space<semaphore_mem>>) attributes {dimension_semantics = [#tpu.dimension_semantics<core_parallel>, #tpu.dimension_semantics<subcore_parallel>], iteration_bounds = array<i64: 2, 16>, scalar_prefetch = 0 : i64, scratch_operands = 3 : i64, tpu.core_type = #tpu.core_type<sc_vector_subcore>, window_params = [{transform_indices = #map}, {transform_indices = #map}, {transform_indices = #map1}]} {
    %mul3A = arith.constant 2 : i32
    %mul3A_0 = arith.muli %arg1, %mul3A : i32
    %add3A = arith.addi %mul3A_0, %arg0 : i32
    %lt3A = arith.constant 20 : i32
    %lt3A_1 = arith.cmpi slt, %add3A, %lt3A : i32
    %convert_element_type3A = arith.extui %lt3A_1 : i1 to i32
    %cond3A = arith.constant 0 : i32
    %cond3A_2 = arith.cmpi ne, %convert_element_type3A, %cond3A : i32
    scf.if %cond3A_2 {
      %div3A = arith.constant 2 : i32
      %div3A_3 = arith.divsi %add3A, %div3A : i32
      %add3A_4 = arith.constant 15 : i32
      %add3A_5 = arith.addi %add3A_4, %div3A_3 : i32
      %rem3A = arith.constant 2 : i32
      %rem3A_6 = arith.remsi %add3A, %rem3A : i32
      "tpu.region"() ({
        %run_scoped3A = tpu.sem_alloc : memref<!tpu.dma_semaphore, #tpu.memory_space<semaphore_mem>>
        %dma_start3A_17 = arith.constant 0 : i32
        %dma_start3A_18 = tpu.memref_slice %arg3[%add3A_5, %dma_start3A_17] : memref<32x128xi32, #tpu.memory_space<hbm>> -> memref<1x128xi32, #tpu.memory_space<hbm>>
        %dma_start3A_19 = tpu.memref_squeeze %dma_start3A_18 : memref<1x128xi32, #tpu.memory_space<hbm>> -> memref<128xi32, #tpu.memory_space<hbm>>
        %dma_start3A_20 = arith.constant 0 : i32
        %dma_start3A_21 = tpu.memref_slice %arg3[%add3A_5, %dma_start3A_20] : memref<32x128xi32, #tpu.memory_space<hbm>> -> memref<1x128xi32, #tpu.memory_space<hbm>>
        %dma_start3A_22 = tpu.memref_squeeze %dma_start3A_21 : memref<1x128xi32, #tpu.memory_space<hbm>> -> memref<128xi32, #tpu.memory_space<hbm>>
        tpu.enqueue_dma source(%dma_start3A_22 : memref<128xi32, #tpu.memory_space<hbm>>) target(%arg5 : memref<128xi32, #tpu.memory_space<vmem>>) target_semaphore(%run_scoped3A : memref<!tpu.dma_semaphore, #tpu.memory_space<semaphore_mem>>)
        %dma_wait3A_23 = arith.constant 0 : i32
        %dma_wait3A_24 = tpu.memref_slice %arg3[%add3A_5, %dma_wait3A_23] : memref<32x128xi32, #tpu.memory_space<hbm>> -> memref<1x128xi32, #tpu.memory_space<hbm>>
        %dma_wait3A_25 = tpu.memref_squeeze %dma_wait3A_24 : memref<1x128xi32, #tpu.memory_space<hbm>> -> memref<128xi32, #tpu.memory_space<hbm>>
        %dma_wait3A_26 = arith.constant 0 : i32
        %dma_wait3A_27 = tpu.memref_slice %arg3[%add3A_5, %dma_wait3A_26] : memref<32x128xi32, #tpu.memory_space<hbm>> -> memref<1x128xi32, #tpu.memory_space<hbm>>
        %dma_wait3A_28 = tpu.memref_squeeze %dma_wait3A_27 : memref<1x128xi32, #tpu.memory_space<hbm>> -> memref<128xi32, #tpu.memory_space<hbm>>
        tpu.wait_dma2 semaphore(%run_scoped3A : memref<!tpu.dma_semaphore, #tpu.memory_space<semaphore_mem>>) src(%dma_wait3A_28 : memref<128xi32, #tpu.memory_space<hbm>>) dst(%arg5 : memref<128xi32, #tpu.memory_space<vmem>>)
        tpu.yield
      }) : () -> ()
      %mul3A_7 = arith.constant 64 : i32
      %mul3A_8 = arith.muli %rem3A_6, %mul3A_7 : i32
      %dma_start3A = tpu.memref_slice %arg5[%mul3A_8] : memref<128xi32, #tpu.memory_space<vmem>> -> memref<64xi32, #tpu.memory_space<vmem>>
      %dma_start3A_9 = arith.constant 0 : i32
      %dma_start3A_10 = arith.constant 0 : i32
      %dma_start3A_11 = tpu.memref_slice %arg2[%dma_start3A_9, %dma_start3A_10] : memref<150x768xf32, #tpu.memory_space<hbm>> -> memref<150x768xf32, #tpu.memory_space<hbm>>
      tpu.enqueue_indirect_dma source(%dma_start3A_11 : memref<150x768xf32, #tpu.memory_space<hbm>>) target(%arg6 : memref<64x768xf32, #tpu.memory_space<vmem>>) offsets(%dma_start3A : memref<64xi32, #tpu.memory_space<vmem>>) semaphore(%arg7 : memref<!tpu.dma_semaphore, #tpu.memory_space<semaphore_mem>>)
      %dma_wait3A = tpu.memref_slice %arg5[%mul3A_8] : memref<128xi32, #tpu.memory_space<vmem>> -> memref<64xi32, #tpu.memory_space<vmem>>
      %dma_wait3A_12 = arith.constant 0 : i32
      %dma_wait3A_13 = arith.constant 0 : i32
      %dma_wait3A_14 = tpu.memref_slice %arg2[%dma_wait3A_12, %dma_wait3A_13] : memref<150x768xf32, #tpu.memory_space<hbm>> -> memref<150x768xf32, #tpu.memory_space<hbm>>
      tpu.wait_indirect_dma semaphore(%arg7 : memref<!tpu.dma_semaphore, #tpu.memory_space<semaphore_mem>>) src(%dma_wait3A_14 : memref<150x768xf32, #tpu.memory_space<hbm>>) dst(%arg6 : memref<64x768xf32, #tpu.memory_space<vmem>>)
      %mul3A_15 = arith.constant 64 : i32
      %mul3A_16 = arith.muli %rem3A_6, %mul3A_15 : i32
      "tpu.region"() ({
        %run_scoped3A = tpu.sem_alloc : memref<!tpu.dma_semaphore, #tpu.memory_space<semaphore_mem>>
        %dma_start3A_17 = arith.constant 0 : i32
        %dma_start3A_18 = tpu.memref_slice %arg4[%add3A_5, %mul3A_16, %dma_start3A_17] : memref<25x128x768xf32, #tpu.memory_space<hbm>> -> memref<1x64x768xf32, #tpu.memory_space<hbm>>
        %dma_start3A_19 = tpu.memref_squeeze %dma_start3A_18 : memref<1x64x768xf32, #tpu.memory_space<hbm>> -> memref<64x768xf32, #tpu.memory_space<hbm>>
        %dma_start3A_20 = arith.constant 0 : i32
        %dma_start3A_21 = tpu.memref_slice %arg4[%add3A_5, %mul3A_16, %dma_start3A_20] : memref<25x128x768xf32, #tpu.memory_space<hbm>> -> memref<1x64x768xf32, #tpu.memory_space<hbm>>
        %dma_start3A_22 = tpu.memref_squeeze %dma_start3A_21 : memref<1x64x768xf32, #tpu.memory_space<hbm>> -> memref<64x768xf32, #tpu.memory_space<hbm>>
        tpu.enqueue_dma source(%arg6 : memref<64x768xf32, #tpu.memory_space<vmem>>) target(%dma_start3A_22 : memref<64x768xf32, #tpu.memory_space<hbm>>) target_semaphore(%run_scoped3A : memref<!tpu.dma_semaphore, #tpu.memory_space<semaphore_mem>>)
        %dma_wait3A_23 = arith.constant 0 : i32
        %dma_wait3A_24 = tpu.memref_slice %arg4[%add3A_5, %mul3A_16, %dma_wait3A_23] : memref<25x128x768xf32, #tpu.memory_space<hbm>> -> memref<1x64x768xf32, #tpu.memory_space<hbm>>
        %dma_wait3A_25 = tpu.memref_squeeze %dma_wait3A_24 : memref<1x64x768xf32, #tpu.memory_space<hbm>> -> memref<64x768xf32, #tpu.memory_space<hbm>>
        %dma_wait3A_26 = arith.constant 0 : i32
        %dma_wait3A_27 = tpu.memref_slice %arg4[%add3A_5, %mul3A_16, %dma_wait3A_26] : memref<25x128x768xf32, #tpu.memory_space<hbm>> -> memref<1x64x768xf32, #tpu.memory_space<hbm>>
        %dma_wait3A_28 = tpu.memref_squeeze %dma_wait3A_27 : memref<1x64x768xf32, #tpu.memory_space<hbm>> -> memref<64x768xf32, #tpu.memory_space<hbm>>
        tpu.wait_dma2 semaphore(%run_scoped3A : memref<!tpu.dma_semaphore, #tpu.memory_space<semaphore_mem>>) src(%arg6 : memref<64x768xf32, #tpu.memory_space<vmem>>) dst(%dma_wait3A_28 : memref<64x768xf32, #tpu.memory_space<hbm>>)
        tpu.yield
      }) : () -> ()
    } else {
    }
    return
  }
}

module attributes {stable_mosaic.version = 14 : i64} {
  func.func @_tc_scatter_body(%arg0: i32, %arg1: memref<25x128x768xf32, #tpu.memory_space<any>>, %arg2: memref<5x30x768xf32, #tpu.memory_space<vmem>>, %arg3: memref<128x32xi32, #tpu.memory_space<vmem>>, %arg4: memref<5x128x768xf32, #tpu.memory_space<vmem>>) attributes {dimension_semantics = [#tpu.dimension_semantics<arbitrary>], iteration_bounds = array<i64: 3>, scalar_prefetch = 0 : i64, scratch_operands = 0 : i64, tpu.core_type = #tpu.core_type<tc>, window_params = [{}, {pipeline_mode = #tpu.pipeline_mode<synchronous>, transform_indices = @transform_1, window_bounds = array<i64: 5, 30, 768>}, {pipeline_mode = #tpu.pipeline_mode<synchronous>, transform_indices = @transform_2, window_bounds = array<i64: 128, 32>}, {transform_indices = @transform_3, window_bounds = array<i64: 5, 128, 768>}]} {
    %get3A = arith.constant 0 : index
    %get3A_0 = arith.constant 0 : index
    %get3A_1 = arith.constant 0 : index
    %get3A_2 = vector.load %arg2[%get3A, %get3A_0, %get3A_1] : memref<5x30x768xf32, #tpu.memory_space<vmem>>, vector<5x30x768xf32>
    %get3A_3 = arith.constant 0 : index
    %get3A_4 = arith.constant 0 : index
    %get3A_5 = vector.load %arg3[%get3A_3, %get3A_4] : memref<128x32xi32, #tpu.memory_space<vmem>>, vector<128x32xi32>
    %iota3A = tpu.iota {dimensions = array<i32: 1>} : vector<128x32xi32>
    %iota3A_6 = tpu.iota {dimensions = array<i32: 1>} : vector<128x30xi32>
    %mul3A = arith.constant 5 : i32
    %mul3A_7 = arith.muli %arg0, %mul3A : i32
    %add3A = arith.constant 0 : i32
    %add3A_8 = arith.addi %mul3A_7, %add3A : i32
    %eq3A = vector.broadcast %add3A_8 : i32 to vector<128x32xi32>
    %eq3A_9 = arith.cmpi eq, %iota3A, %eq3A : vector<128x32xi32>
    %jit3A = arith.constant 0 : i32
    %broadcast_in_dim3A = vector.broadcast %jit3A : i32 to vector<128x32xi32>
    %select_n3A = arith.select %eq3A_9, %get3A_5, %broadcast_in_dim3A : vector<128x32xi1>, vector<128x32xi32>
    %reduce_sum3A = arith.constant dense<0> : vector<128xi32>
    %reduce_sum3A_10 = vector.multi_reduction <add>, %select_n3A, %reduce_sum3A [1] : vector<128x32xi32> to vector<128xi32>
    %broadcast_in_dim3A_11 = vector.shape_cast %reduce_sum3A_10 : vector<128xi32> to vector<128x1xi32>
    %sub3A = arith.constant 0 : i32
    %sub3A_12 = vector.broadcast %sub3A : i32 to vector<128x1xi32>
    %sub3A_13 = arith.subi %broadcast_in_dim3A_11, %sub3A_12 : vector<128x1xi32>
    %eq3A_14 = vector.broadcast %sub3A_13 : vector<128x1xi32> to vector<128x30xi32>
    %eq3A_15 = arith.cmpi eq, %iota3A_6, %eq3A_14 : vector<128x30xi32>
    %convert_element_type3A = arith.extui %eq3A_15 : vector<128x30xi1> to vector<128x30xi32>
    %convert_element_type3A_16 = arith.sitofp %convert_element_type3A : vector<128x30xi32> to vector<128x30xf32>
    %slice3A = vector.extract_strided_slice %get3A_2 {offsets = [0, 0, 0], sizes = [1, 30, 768], strides = [1, 1, 1]} : vector<5x30x768xf32> to vector<1x30x768xf32>
    %squeeze3A = vector.shape_cast %slice3A : vector<1x30x768xf32> to vector<30x768xf32>
    %dot_general3A = arith.constant dense<0.000000e+00> : vector<128x768xf32>
    %dot_general3A_17 = tpu.matmul %convert_element_type3A_16, %squeeze3A, %dot_general3A {dimension_numbers = #tpu.dot_dimension_numbers<[1], [0], [0], [1], [0, 0, 1, 1], [], []>, transpose_lhs_hint = false} : vector<128x30xf32>, vector<30x768xf32>, vector<128x768xf32> -> vector<128x768xf32>
    %broadcast_in_dim3A_18 = vector.shape_cast %dot_general3A_17 : vector<128x768xf32> to vector<1x128x768xf32>
    %mul3A_19 = arith.constant 5 : i32
    %mul3A_20 = arith.muli %arg0, %mul3A_19 : i32
    %add3A_21 = arith.constant 1 : i32
    %add3A_22 = arith.addi %mul3A_20, %add3A_21 : i32
    %eq3A_23 = vector.broadcast %add3A_22 : i32 to vector<128x32xi32>
    %eq3A_24 = arith.cmpi eq, %iota3A, %eq3A_23 : vector<128x32xi32>
    %jit3A_25 = arith.constant 0 : i32
    %broadcast_in_dim3A_26 = vector.broadcast %jit3A_25 : i32 to vector<128x32xi32>
    %select_n3A_27 = arith.select %eq3A_24, %get3A_5, %broadcast_in_dim3A_26 : vector<128x32xi1>, vector<128x32xi32>
    %reduce_sum3A_28 = arith.constant dense<0> : vector<128xi32>
    %reduce_sum3A_29 = vector.multi_reduction <add>, %select_n3A_27, %reduce_sum3A_28 [1] : vector<128x32xi32> to vector<128xi32>
    %broadcast_in_dim3A_30 = vector.shape_cast %reduce_sum3A_29 : vector<128xi32> to vector<128x1xi32>
    %sub3A_31 = arith.constant 30 : i32
    %sub3A_32 = vector.broadcast %sub3A_31 : i32 to vector<128x1xi32>
    %sub3A_33 = arith.subi %broadcast_in_dim3A_30, %sub3A_32 : vector<128x1xi32>
    %eq3A_34 = vector.broadcast %sub3A_33 : vector<128x1xi32> to vector<128x30xi32>
    %eq3A_35 = arith.cmpi eq, %iota3A_6, %eq3A_34 : vector<128x30xi32>
    %convert_element_type3A_36 = arith.extui %eq3A_35 : vector<128x30xi1> to vector<128x30xi32>
    %convert_element_type3A_37 = arith.sitofp %convert_element_type3A_36 : vector<128x30xi32> to vector<128x30xf32>
    %slice3A_38 = vector.extract_strided_slice %get3A_2 {offsets = [1, 0, 0], sizes = [1, 30, 768], strides = [1, 1, 1]} : vector<5x30x768xf32> to vector<1x30x768xf32>
    %squeeze3A_39 = vector.shape_cast %slice3A_38 : vector<1x30x768xf32> to vector<30x768xf32>
    %dot_general3A_40 = arith.constant dense<0.000000e+00> : vector<128x768xf32>
    %dot_general3A_41 = tpu.matmul %convert_element_type3A_37, %squeeze3A_39, %dot_general3A_40 {dimension_numbers = #tpu.dot_dimension_numbers<[1], [0], [0], [1], [0, 0, 1, 1], [], []>, transpose_lhs_hint = false} : vector<128x30xf32>, vector<30x768xf32>, vector<128x768xf32> -> vector<128x768xf32>
    %broadcast_in_dim3A_42 = vector.shape_cast %dot_general3A_41 : vector<128x768xf32> to vector<1x128x768xf32>
    %mul3A_43 = arith.constant 5 : i32
    %mul3A_44 = arith.muli %arg0, %mul3A_43 : i32
    %add3A_45 = arith.constant 2 : i32
    %add3A_46 = arith.addi %mul3A_44, %add3A_45 : i32
    %eq3A_47 = vector.broadcast %add3A_46 : i32 to vector<128x32xi32>
    %eq3A_48 = arith.cmpi eq, %iota3A, %eq3A_47 : vector<128x32xi32>
    %jit3A_49 = arith.constant 0 : i32
    %broadcast_in_dim3A_50 = vector.broadcast %jit3A_49 : i32 to vector<128x32xi32>
    %select_n3A_51 = arith.select %eq3A_48, %get3A_5, %broadcast_in_dim3A_50 : vector<128x32xi1>, vector<128x32xi32>
    %reduce_sum3A_52 = arith.constant dense<0> : vector<128xi32>
    %reduce_sum3A_53 = vector.multi_reduction <add>, %select_n3A_51, %reduce_sum3A_52 [1] : vector<128x32xi32> to vector<128xi32>
    %broadcast_in_dim3A_54 = vector.shape_cast %reduce_sum3A_53 : vector<128xi32> to vector<128x1xi32>
    %sub3A_55 = arith.constant 60 : i32
    %sub3A_56 = vector.broadcast %sub3A_55 : i32 to vector<128x1xi32>
    %sub3A_57 = arith.subi %broadcast_in_dim3A_54, %sub3A_56 : vector<128x1xi32>
    %eq3A_58 = vector.broadcast %sub3A_57 : vector<128x1xi32> to vector<128x30xi32>
    %eq3A_59 = arith.cmpi eq, %iota3A_6, %eq3A_58 : vector<128x30xi32>
    %convert_element_type3A_60 = arith.extui %eq3A_59 : vector<128x30xi1> to vector<128x30xi32>
    %convert_element_type3A_61 = arith.sitofp %convert_element_type3A_60 : vector<128x30xi32> to vector<128x30xf32>
    %slice3A_62 = vector.extract_strided_slice %get3A_2 {offsets = [2, 0, 0], sizes = [1, 30, 768], strides = [1, 1, 1]} : vector<5x30x768xf32> to vector<1x30x768xf32>
    %squeeze3A_63 = vector.shape_cast %slice3A_62 : vector<1x30x768xf32> to vector<30x768xf32>
    %dot_general3A_64 = arith.constant dense<0.000000e+00> : vector<128x768xf32>
    %dot_general3A_65 = tpu.matmul %convert_element_type3A_61, %squeeze3A_63, %dot_general3A_64 {dimension_numbers = #tpu.dot_dimension_numbers<[1], [0], [0], [1], [0, 0, 1, 1], [], []>, transpose_lhs_hint = false} : vector<128x30xf32>, vector<30x768xf32>, vector<128x768xf32> -> vector<128x768xf32>
    %broadcast_in_dim3A_66 = vector.shape_cast %dot_general3A_65 : vector<128x768xf32> to vector<1x128x768xf32>
    %mul3A_67 = arith.constant 5 : i32
    %mul3A_68 = arith.muli %arg0, %mul3A_67 : i32
    %add3A_69 = arith.constant 3 : i32
    %add3A_70 = arith.addi %mul3A_68, %add3A_69 : i32
    %eq3A_71 = vector.broadcast %add3A_70 : i32 to vector<128x32xi32>
    %eq3A_72 = arith.cmpi eq, %iota3A, %eq3A_71 : vector<128x32xi32>
    %jit3A_73 = arith.constant 0 : i32
    %broadcast_in_dim3A_74 = vector.broadcast %jit3A_73 : i32 to vector<128x32xi32>
    %select_n3A_75 = arith.select %eq3A_72, %get3A_5, %broadcast_in_dim3A_74 : vector<128x32xi1>, vector<128x32xi32>
    %reduce_sum3A_76 = arith.constant dense<0> : vector<128xi32>
    %reduce_sum3A_77 = vector.multi_reduction <add>, %select_n3A_75, %reduce_sum3A_76 [1] : vector<128x32xi32> to vector<128xi32>
    %broadcast_in_dim3A_78 = vector.shape_cast %reduce_sum3A_77 : vector<128xi32> to vector<128x1xi32>
    %sub3A_79 = arith.constant 90 : i32
    %sub3A_80 = vector.broadcast %sub3A_79 : i32 to vector<128x1xi32>
    %sub3A_81 = arith.subi %broadcast_in_dim3A_78, %sub3A_80 : vector<128x1xi32>
    %eq3A_82 = vector.broadcast %sub3A_81 : vector<128x1xi32> to vector<128x30xi32>
    %eq3A_83 = arith.cmpi eq, %iota3A_6, %eq3A_82 : vector<128x30xi32>
    %convert_element_type3A_84 = arith.extui %eq3A_83 : vector<128x30xi1> to vector<128x30xi32>
    %convert_element_type3A_85 = arith.sitofp %convert_element_type3A_84 : vector<128x30xi32> to vector<128x30xf32>
    %slice3A_86 = vector.extract_strided_slice %get3A_2 {offsets = [3, 0, 0], sizes = [1, 30, 768], strides = [1, 1, 1]} : vector<5x30x768xf32> to vector<1x30x768xf32>
    %squeeze3A_87 = vector.shape_cast %slice3A_86 : vector<1x30x768xf32> to vector<30x768xf32>
    %dot_general3A_88 = arith.constant dense<0.000000e+00> : vector<128x768xf32>
    %dot_general3A_89 = tpu.matmul %convert_element_type3A_85, %squeeze3A_87, %dot_general3A_88 {dimension_numbers = #tpu.dot_dimension_numbers<[1], [0], [0], [1], [0, 0, 1, 1], [], []>, transpose_lhs_hint = false} : vector<128x30xf32>, vector<30x768xf32>, vector<128x768xf32> -> vector<128x768xf32>
    %broadcast_in_dim3A_90 = vector.shape_cast %dot_general3A_89 : vector<128x768xf32> to vector<1x128x768xf32>
    %mul3A_91 = arith.constant 5 : i32
    %mul3A_92 = arith.muli %arg0, %mul3A_91 : i32
    %add3A_93 = arith.constant 4 : i32
    %add3A_94 = arith.addi %mul3A_92, %add3A_93 : i32
    %eq3A_95 = vector.broadcast %add3A_94 : i32 to vector<128x32xi32>
    %eq3A_96 = arith.cmpi eq, %iota3A, %eq3A_95 : vector<128x32xi32>
    %jit3A_97 = arith.constant 0 : i32
    %broadcast_in_dim3A_98 = vector.broadcast %jit3A_97 : i32 to vector<128x32xi32>
    %select_n3A_99 = arith.select %eq3A_96, %get3A_5, %broadcast_in_dim3A_98 : vector<128x32xi1>, vector<128x32xi32>
    %reduce_sum3A_100 = arith.constant dense<0> : vector<128xi32>
    %reduce_sum3A_101 = vector.multi_reduction <add>, %select_n3A_99, %reduce_sum3A_100 [1] : vector<128x32xi32> to vector<128xi32>
    %broadcast_in_dim3A_102 = vector.shape_cast %reduce_sum3A_101 : vector<128xi32> to vector<128x1xi32>
    %sub3A_103 = arith.constant 120 : i32
    %sub3A_104 = vector.broadcast %sub3A_103 : i32 to vector<128x1xi32>
    %sub3A_105 = arith.subi %broadcast_in_dim3A_102, %sub3A_104 : vector<128x1xi32>
    %eq3A_106 = vector.broadcast %sub3A_105 : vector<128x1xi32> to vector<128x30xi32>
    %eq3A_107 = arith.cmpi eq, %iota3A_6, %eq3A_106 : vector<128x30xi32>
    %convert_element_type3A_108 = arith.extui %eq3A_107 : vector<128x30xi1> to vector<128x30xi32>
    %convert_element_type3A_109 = arith.sitofp %convert_element_type3A_108 : vector<128x30xi32> to vector<128x30xf32>
    %slice3A_110 = vector.extract_strided_slice %get3A_2 {offsets = [4, 0, 0], sizes = [1, 30, 768], strides = [1, 1, 1]} : vector<5x30x768xf32> to vector<1x30x768xf32>
    %squeeze3A_111 = vector.shape_cast %slice3A_110 : vector<1x30x768xf32> to vector<30x768xf32>
    %dot_general3A_112 = arith.constant dense<0.000000e+00> : vector<128x768xf32>
    %dot_general3A_113 = tpu.matmul %convert_element_type3A_109, %squeeze3A_111, %dot_general3A_112 {dimension_numbers = #tpu.dot_dimension_numbers<[1], [0], [0], [1], [0, 0, 1, 1], [], []>, transpose_lhs_hint = false} : vector<128x30xf32>, vector<30x768xf32>, vector<128x768xf32> -> vector<128x768xf32>
    %broadcast_in_dim3A_114 = vector.shape_cast %dot_general3A_113 : vector<128x768xf32> to vector<1x128x768xf32>
    %concatenate3A = tpu.concatenate %broadcast_in_dim3A_18, %broadcast_in_dim3A_42, %broadcast_in_dim3A_66, %broadcast_in_dim3A_90, %broadcast_in_dim3A_114 in 0 : vector<1x128x768xf32>, vector<1x128x768xf32>, vector<1x128x768xf32>, vector<1x128x768xf32>, vector<1x128x768xf32> -> vector<5x128x768xf32>
    %swap3A = arith.constant 0 : index
    %swap3A_115 = arith.constant 0 : index
    %swap3A_116 = arith.constant 0 : index
    %swap3A_117 = vector.load %arg4[%swap3A, %swap3A_115, %swap3A_116] : memref<5x128x768xf32, #tpu.memory_space<vmem>>, vector<5x128x768xf32>
    tpu.vector_store %arg4[%swap3A, %swap3A_115, %swap3A_116], %concatenate3A {strides = array<i32>} : memref<5x128x768xf32, #tpu.memory_space<vmem>>, vector<5x128x768xf32>,
    return
  }
  func.func @transform_1(%arg0: i32) -> (i32, i32, i32) {
    %c0_i32 = arith.constant 0 : i32
    %c0_i32_0 = arith.constant 0 : i32
    %c0_i32_1 = arith.constant 0 : i32
    %c0_i32_2 = arith.constant 0 : i32
    return %c0_i32, %c0_i32_0, %c0_i32_1 : i32, i32, i32
  }
  func.func @transform_2(%arg0: i32) -> (i32, i32) {
    %c0_i32 = arith.constant 0 : i32
    %c0_i32_0 = arith.constant 0 : i32
    %c0_i32_1 = arith.constant 0 : i32
    return %c0_i32, %c0_i32_0 : i32, i32
  }
  func.func @transform_3(%arg0: i32) -> (i32, i32, i32) {
    %c0_i32 = arith.constant 0 : i32
    %c0_i32_0 = arith.constant 0 : i32
    %c0_i32_1 = arith.constant 0 : i32
    return %arg0, %c0_i32, %c0_i32_0 : i32, i32, i32
  }
}

module attributes {stable_mosaic.version = 14 : i64} {
  func.func @_topk_body(%arg0: i32, %arg1: memref<28x128x768xf32, #tpu.memory_space<vmem>>, %arg2: memref<5x30x768xf32, #tpu.memory_space<vmem>>, %arg3: memref<32x128xi32, #tpu.memory_space<vmem>>, %arg4: memref<128x32xi32, #tpu.memory_space<vmem>>, %arg5: memref<128x768xf32, #tpu.memory_space<vmem>>, %arg6: memref<128x768xf32, #tpu.memory_space<vmem>>) attributes {dimension_semantics = [#tpu.dimension_semantics<arbitrary>], iteration_bounds = array<i64: 7>, scalar_prefetch = 0 : i64, scratch_operands = 2 : i64, tpu.core_type = #tpu.core_type<tc>, window_params = [{transform_indices = @transform_0, window_bounds = array<i64: 28, 128, 768>}, {pipeline_mode = #tpu.pipeline_mode<synchronous>, transform_indices = @transform_1, window_bounds = array<i64: 5, 30, 768>}, {pipeline_mode = #tpu.pipeline_mode<synchronous>, transform_indices = @transform_2, window_bounds = array<i64: 32, 128>}, {pipeline_mode = #tpu.pipeline_mode<synchronous>, transform_indices = @transform_3, window_bounds = array<i64: 128, 32>}]} {
    %get3A = arith.constant 0 : index
    %get3A_0 = arith.constant 0 : index
    %get3A_1 = arith.constant 0 : index
    %get3A_2 = vector.load %arg1[%get3A, %get3A_0, %get3A_1] : memref<28x128x768xf32, #tpu.memory_space<vmem>>, vector<28x128x768xf32>
    %reduce_max3A = arith.constant dense<0xFF800000> : vector<128x768xf32>
    %reduce_max3A_3 = vector.multi_reduction <maximumf>, %get3A_2, %reduce_max3A [0] : vector<28x128x768xf32> to vector<128x768xf32>
    %reduce_sum3A = arith.constant dense<0.000000e+00> : vector<128x768xf32>
    %reduce_sum3A_4 = vector.multi_reduction <add>, %get3A_2, %reduce_sum3A [0] : vector<28x128x768xf32> to vector<128x768xf32>
    %eq3A = arith.constant 0 : i32
    %eq3A_5 = arith.cmpi eq, %arg0, %eq3A : i32
    %convert_element_type3A = arith.extui %eq3A_5 : i1 to i32
    %cond3A = arith.constant 0 : i32
    %cond3A_6 = arith.cmpi ne, %convert_element_type3A, %cond3A : i32
    scf.if %cond3A_6 {
      %swap3A = arith.constant 0 : index
      %swap3A_16 = arith.constant 0 : index
      %swap3A_17 = vector.load %arg5[%swap3A, %swap3A_16] : memref<128x768xf32, #tpu.memory_space<vmem>>, vector<128x768xf32>
      tpu.vector_store %arg5[%swap3A, %swap3A_16], %reduce_max3A_3 {strides = array<i32>} : memref<128x768xf32, #tpu.memory_space<vmem>>, vector<128x768xf32>,
      %swap3A_18 = arith.constant 0 : index
      %swap3A_19 = arith.constant 0 : index
      %swap3A_20 = vector.load %arg6[%swap3A_18, %swap3A_19] : memref<128x768xf32, #tpu.memory_space<vmem>>, vector<128x768xf32>
      tpu.vector_store %arg6[%swap3A_18, %swap3A_19], %reduce_sum3A_4 {strides = array<i32>} : memref<128x768xf32, #tpu.memory_space<vmem>>, vector<128x768xf32>,
    } else {
    }
    %gt3A = arith.constant 0 : i32
    %gt3A_7 = arith.cmpi sgt, %arg0, %gt3A : i32
    %convert_element_type3A_8 = arith.extui %gt3A_7 : i1 to i32
    %cond3A_9 = arith.constant 0 : i32
    %cond3A_10 = arith.cmpi ne, %convert_element_type3A_8, %cond3A_9 : i32
    scf.if %cond3A_10 {
      %get3A_16 = arith.constant 0 : index
      %get3A_17 = arith.constant 0 : index
      %get3A_18 = vector.load %arg5[%get3A_16, %get3A_17] : memref<128x768xf32, #tpu.memory_space<vmem>>, vector<128x768xf32>
      %max3A = arith.maximumf %get3A_18, %reduce_max3A_3 : vector<128x768xf32>
      %swap3A = arith.constant 0 : index
      %swap3A_19 = arith.constant 0 : index
      %swap3A_20 = vector.load %arg5[%swap3A, %swap3A_19] : memref<128x768xf32, #tpu.memory_space<vmem>>, vector<128x768xf32>
      tpu.vector_store %arg5[%swap3A, %swap3A_19], %max3A {strides = array<i32>} : memref<128x768xf32, #tpu.memory_space<vmem>>, vector<128x768xf32>,
      %get3A_21 = arith.constant 0 : index
      %get3A_22 = arith.constant 0 : index
      %get3A_23 = vector.load %arg6[%get3A_21, %get3A_22] : memref<128x768xf32, #tpu.memory_space<vmem>>, vector<128x768xf32>
      %add3A = arith.addf %get3A_23, %reduce_sum3A_4 : vector<128x768xf32>
      %swap3A_24 = arith.constant 0 : index
      %swap3A_25 = arith.constant 0 : index
      %swap3A_26 = vector.load %arg6[%swap3A_24, %swap3A_25] : memref<128x768xf32, #tpu.memory_space<vmem>>, vector<128x768xf32>
      tpu.vector_store %arg6[%swap3A_24, %swap3A_25], %add3A {strides = array<i32>} : memref<128x768xf32, #tpu.memory_space<vmem>>, vector<128x768xf32>,
    } else {
    }
    %eq3A_11 = arith.constant 6 : i32
    %eq3A_12 = arith.cmpi eq, %arg0, %eq3A_11 : i32
    %convert_element_type3A_13 = arith.extui %eq3A_12 : i1 to i32
    %cond3A_14 = arith.constant 0 : i32
    %cond3A_15 = arith.cmpi ne, %convert_element_type3A_13, %cond3A_14 : i32
    scf.if %cond3A_15 {
      %get3A_16 = arith.constant 0 : index
      %get3A_17 = arith.constant 0 : index
      %get3A_18 = vector.load %arg5[%get3A_16, %get3A_17] : memref<128x768xf32, #tpu.memory_space<vmem>>, vector<128x768xf32>
      %get3A_19 = arith.constant 0 : index
      %get3A_20 = arith.constant 0 : index
      %get3A_21 = vector.load %arg6[%get3A_19, %get3A_20] : memref<128x768xf32, #tpu.memory_space<vmem>>, vector<128x768xf32>
      %mul3A = arith.constant 0.00510204071 : f32
      %mul3A_22 = vector.broadcast %mul3A : f32 to vector<128x768xf32>
      %mul3A_23 = arith.mulf %get3A_21, %mul3A_22 : vector<128x768xf32>
      %mul3A_24 = arith.constant 2.000000e+00 : f32
      %mul3A_25 = vector.broadcast %mul3A_24 : f32 to vector<128x768xf32>
      %mul3A_26 = arith.mulf %mul3A_25, %mul3A_23 : vector<128x768xf32>
      %add3A = arith.addf %get3A_18, %mul3A_26 : vector<128x768xf32>
      %get3A_27 = arith.constant 0 : index
      %get3A_28 = arith.constant 0 : index
      %get3A_29 = arith.constant 0 : index
      %get3A_30 = vector.load %arg2[%get3A_27, %get3A_28, %get3A_29] : memref<5x30x768xf32, #tpu.memory_space<vmem>>, vector<5x30x768xf32>
      %reduce_sum3A_31 = arith.constant dense<0.000000e+00> : vector<30x768xf32>
      %reduce_sum3A_32 = vector.multi_reduction <add>, %get3A_30, %reduce_sum3A_31 [0] : vector<5x30x768xf32> to vector<30x768xf32>
      %mul3A_33 = arith.constant 2.000000e-01 : f32
      %mul3A_34 = vector.broadcast %mul3A_33 : f32 to vector<30x768xf32>
      %mul3A_35 = arith.mulf %reduce_sum3A_32, %mul3A_34 : vector<30x768xf32>
      %mul3A_36 = arith.mulf %add3A, %add3A : vector<128x768xf32>
      %reduce_sum3A_37 = arith.constant dense<0.000000e+00> : vector<128xf32>
      %reduce_sum3A_38 = vector.multi_reduction <add>, %mul3A_36, %reduce_sum3A_37 [1] : vector<128x768xf32> to vector<128xf32>
      %broadcast_in_dim3A = vector.shape_cast %reduce_sum3A_38 : vector<128xf32> to vector<128x1xf32>
      %max3A = arith.constant 9.99999996E-13 : f32
      %max3A_39 = vector.broadcast %max3A : f32 to vector<128x1xf32>
      %max3A_40 = arith.maximumf %broadcast_in_dim3A, %max3A_39 : vector<128x1xf32>
      %rsqrt3A = math.rsqrt %max3A_40 : vector<128x1xf32>
      %mul3A_41 = vector.broadcast %rsqrt3A : vector<128x1xf32> to vector<128x768xf32>
      %mul3A_42 = arith.mulf %add3A, %mul3A_41 : vector<128x768xf32>
      %mul3A_43 = arith.mulf %mul3A_35, %mul3A_35 : vector<30x768xf32>
      %reduce_sum3A_44 = arith.constant dense<0.000000e+00> : vector<30xf32>
      %reduce_sum3A_45 = vector.multi_reduction <add>, %mul3A_43, %reduce_sum3A_44 [1] : vector<30x768xf32> to vector<30xf32>
      %broadcast_in_dim3A_46 = vector.shape_cast %reduce_sum3A_45 : vector<30xf32> to vector<30x1xf32>
      %max3A_47 = arith.constant 9.99999996E-13 : f32
      %max3A_48 = vector.broadcast %max3A_47 : f32 to vector<30x1xf32>
      %max3A_49 = arith.maximumf %broadcast_in_dim3A_46, %max3A_48 : vector<30x1xf32>
      %rsqrt3A_50 = math.rsqrt %max3A_49 : vector<30x1xf32>
      %mul3A_51 = vector.broadcast %rsqrt3A_50 : vector<30x1xf32> to vector<30x768xf32>
      %mul3A_52 = arith.mulf %mul3A_35, %mul3A_51 : vector<30x768xf32>
      %dot_general3A = arith.constant dense<0.000000e+00> : vector<128x30xf32>
      %dot_general3A_53 = tpu.matmul %mul3A_42, %mul3A_52, %dot_general3A {dimension_numbers = #tpu.dot_dimension_numbers<[1], [1], [0], [0], [0, 0, 1, 0], [], []>, transpose_lhs_hint = false} : vector<128x768xf32>, vector<30x768xf32>, vector<128x30xf32> -> vector<128x30xf32>
      %iota3A = tpu.iota {dimensions = array<i32: 1>} : vector<128x30xi32>
      %reduce_max3A_54 = arith.constant dense<0xFF800000> : vector<128xf32>
      %reduce_max3A_55 = vector.multi_reduction <maximumf>, %dot_general3A_53, %reduce_max3A_54 [1] : vector<128x30xf32> to vector<128xf32>
      %broadcast_in_dim3A_56 = vector.shape_cast %reduce_max3A_55 : vector<128xf32> to vector<128x1xf32>
      %eq3A_57 = vector.broadcast %broadcast_in_dim3A_56 : vector<128x1xf32> to vector<128x30xf32>
      %eq3A_58 = arith.cmpf oeq, %dot_general3A_53, %eq3A_57 : vector<128x30xf32>
      %jit3A = arith.constant 30 : i32
      %broadcast_in_dim3A_59 = vector.broadcast %jit3A : i32 to vector<128x30xi32>
      %select_n3A = arith.select %eq3A_58, %iota3A, %broadcast_in_dim3A_59 : vector<128x30xi1>, vector<128x30xi32>
      %reduce_min3A = arith.constant dense<2147483647> : vector<128xi32>
      %reduce_min3A_60 = vector.multi_reduction <minsi>, %select_n3A, %reduce_min3A [1] : vector<128x30xi32> to vector<128xi32>
      %add3A_61 = arith.constant 0 : i32
      %add3A_62 = vector.broadcast %add3A_61 : i32 to vector<128xi32>
      %add3A_63 = arith.addi %reduce_min3A_60, %add3A_62 : vector<128xi32>
      %broadcast_in_dim3A_64 = vector.shape_cast %add3A_63 : vector<128xi32> to vector<1x128xi32>
      %add3A_65 = arith.constant 30 : i32
      %add3A_66 = vector.broadcast %add3A_65 : i32 to vector<128xi32>
      %add3A_67 = arith.addi %reduce_min3A_60, %add3A_66 : vector<128xi32>
      %broadcast_in_dim3A_68 = vector.shape_cast %add3A_67 : vector<128xi32> to vector<1x128xi32>
      %add3A_69 = arith.constant 60 : i32
      %add3A_70 = vector.broadcast %add3A_69 : i32 to vector<128xi32>
      %add3A_71 = arith.addi %reduce_min3A_60, %add3A_70 : vector<128xi32>
      %broadcast_in_dim3A_72 = vector.shape_cast %add3A_71 : vector<128xi32> to vector<1x128xi32>
      %add3A_73 = arith.constant 90 : i32
      %add3A_74 = vector.broadcast %add3A_73 : i32 to vector<128xi32>
      %add3A_75 = arith.addi %reduce_min3A_60, %add3A_74 : vector<128xi32>
      %broadcast_in_dim3A_76 = vector.shape_cast %add3A_75 : vector<128xi32> to vector<1x128xi32>
      %add3A_77 = arith.constant 120 : i32
      %add3A_78 = vector.broadcast %add3A_77 : i32 to vector<128xi32>
      %add3A_79 = arith.addi %reduce_min3A_60, %add3A_78 : vector<128xi32>
      %broadcast_in_dim3A_80 = vector.shape_cast %add3A_79 : vector<128xi32> to vector<1x128xi32>
      %add3A_81 = arith.constant 0 : i32
      %add3A_82 = vector.broadcast %add3A_81 : i32 to vector<128xi32>
      %add3A_83 = arith.addi %reduce_min3A_60, %add3A_82 : vector<128xi32>
      %broadcast_in_dim3A_84 = vector.shape_cast %add3A_83 : vector<128xi32> to vector<128x1xi32>
      %add3A_85 = arith.constant 30 : i32
      %add3A_86 = vector.broadcast %add3A_85 : i32 to vector<128xi32>
      %add3A_87 = arith.addi %reduce_min3A_60, %add3A_86 : vector<128xi32>
      %broadcast_in_dim3A_88 = vector.shape_cast %add3A_87 : vector<128xi32> to vector<128x1xi32>
      %add3A_89 = arith.constant 60 : i32
      %add3A_90 = vector.broadcast %add3A_89 : i32 to vector<128xi32>
      %add3A_91 = arith.addi %reduce_min3A_60, %add3A_90 : vector<128xi32>
      %broadcast_in_dim3A_92 = vector.shape_cast %add3A_91 : vector<128xi32> to vector<128x1xi32>
      %add3A_93 = arith.constant 90 : i32
      %add3A_94 = vector.broadcast %add3A_93 : i32 to vector<128xi32>
      %add3A_95 = arith.addi %reduce_min3A_60, %add3A_94 : vector<128xi32>
      %broadcast_in_dim3A_96 = vector.shape_cast %add3A_95 : vector<128xi32> to vector<128x1xi32>
      %add3A_97 = arith.constant 120 : i32
      %add3A_98 = vector.broadcast %add3A_97 : i32 to vector<128xi32>
      %add3A_99 = arith.addi %reduce_min3A_60, %add3A_98 : vector<128xi32>
      %broadcast_in_dim3A_100 = vector.shape_cast %add3A_99 : vector<128xi32> to vector<128x1xi32>
      %broadcast_in_dim3A_101 = vector.shape_cast %reduce_min3A_60 : vector<128xi32> to vector<128x1xi32>
      %eq3A_102 = vector.broadcast %broadcast_in_dim3A_101 : vector<128x1xi32> to vector<128x30xi32>
      %eq3A_103 = arith.cmpi eq, %iota3A, %eq3A_102 : vector<128x30xi32>
      %jit3A_104 = arith.constant 0xFF800000 : f32
      %broadcast_in_dim3A_105 = vector.broadcast %jit3A_104 : f32 to vector<128x30xf32>
      %select_n3A_106 = arith.select %eq3A_103, %broadcast_in_dim3A_105, %dot_general3A_53 : vector<128x30xi1>, vector<128x30xf32>
      %reduce_max3A_107 = arith.constant dense<0xFF800000> : vector<128xf32>
      %reduce_max3A_108 = vector.multi_reduction <maximumf>, %select_n3A_106, %reduce_max3A_107 [1] : vector<128x30xf32> to vector<128xf32>
      %broadcast_in_dim3A_109 = vector.shape_cast %reduce_max3A_108 : vector<128xf32> to vector<128x1xf32>
      %eq3A_110 = vector.broadcast %broadcast_in_dim3A_109 : vector<128x1xf32> to vector<128x30xf32>
      %eq3A_111 = arith.cmpf oeq, %select_n3A_106, %eq3A_110 : vector<128x30xf32>
      %jit3A_112 = arith.constant 30 : i32
      %broadcast_in_dim3A_113 = vector.broadcast %jit3A_112 : i32 to vector<128x30xi32>
      %select_n3A_114 = arith.select %eq3A_111, %iota3A, %broadcast_in_dim3A_113 : vector<128x30xi1>, vector<128x30xi32>
      %reduce_min3A_115 = arith.constant dense<2147483647> : vector<128xi32>
      %reduce_min3A_116 = vector.multi_reduction <minsi>, %select_n3A_114, %reduce_min3A_115 [1] : vector<128x30xi32> to vector<128xi32>
      %add3A_117 = arith.constant 0 : i32
      %add3A_118 = vector.broadcast %add3A_117 : i32 to vector<128xi32>
      %add3A_119 = arith.addi %reduce_min3A_116, %add3A_118 : vector<128xi32>
      %broadcast_in_dim3A_120 = vector.shape_cast %add3A_119 : vector<128xi32> to vector<1x128xi32>
      %add3A_121 = arith.constant 30 : i32
      %add3A_122 = vector.broadcast %add3A_121 : i32 to vector<128xi32>
      %add3A_123 = arith.addi %reduce_min3A_116, %add3A_122 : vector<128xi32>
      %broadcast_in_dim3A_124 = vector.shape_cast %add3A_123 : vector<128xi32> to vector<1x128xi32>
      %add3A_125 = arith.constant 60 : i32
      %add3A_126 = vector.broadcast %add3A_125 : i32 to vector<128xi32>
      %add3A_127 = arith.addi %reduce_min3A_116, %add3A_126 : vector<128xi32>
      %broadcast_in_dim3A_128 = vector.shape_cast %add3A_127 : vector<128xi32> to vector<1x128xi32>
      %add3A_129 = arith.constant 90 : i32
      %add3A_130 = vector.broadcast %add3A_129 : i32 to vector<128xi32>
      %add3A_131 = arith.addi %reduce_min3A_116, %add3A_130 : vector<128xi32>
      %broadcast_in_dim3A_132 = vector.shape_cast %add3A_131 : vector<128xi32> to vector<1x128xi32>
      %add3A_133 = arith.constant 120 : i32
      %add3A_134 = vector.broadcast %add3A_133 : i32 to vector<128xi32>
      %add3A_135 = arith.addi %reduce_min3A_116, %add3A_134 : vector<128xi32>
      %broadcast_in_dim3A_136 = vector.shape_cast %add3A_135 : vector<128xi32> to vector<1x128xi32>
      %add3A_137 = arith.constant 0 : i32
      %add3A_138 = vector.broadcast %add3A_137 : i32 to vector<128xi32>
      %add3A_139 = arith.addi %reduce_min3A_116, %add3A_138 : vector<128xi32>
      %broadcast_in_dim3A_140 = vector.shape_cast %add3A_139 : vector<128xi32> to vector<128x1xi32>
      %add3A_141 = arith.constant 30 : i32
      %add3A_142 = vector.broadcast %add3A_141 : i32 to vector<128xi32>
      %add3A_143 = arith.addi %reduce_min3A_116, %add3A_142 : vector<128xi32>
      %broadcast_in_dim3A_144 = vector.shape_cast %add3A_143 : vector<128xi32> to vector<128x1xi32>
      %add3A_145 = arith.constant 60 : i32
      %add3A_146 = vector.broadcast %add3A_145 : i32 to vector<128xi32>
      %add3A_147 = arith.addi %reduce_min3A_116, %add3A_146 : vector<128xi32>
      %broadcast_in_dim3A_148 = vector.shape_cast %add3A_147 : vector<128xi32> to vector<128x1xi32>
      %add3A_149 = arith.constant 90 : i32
      %add3A_150 = vector.broadcast %add3A_149 : i32 to vector<128xi32>
      %add3A_151 = arith.addi %reduce_min3A_116, %add3A_150 : vector<128xi32>
      %broadcast_in_dim3A_152 = vector.shape_cast %add3A_151 : vector<128xi32> to vector<128x1xi32>
      %add3A_153 = arith.constant 120 : i32
      %add3A_154 = vector.broadcast %add3A_153 : i32 to vector<128xi32>
      %add3A_155 = arith.addi %reduce_min3A_116, %add3A_154 : vector<128xi32>
      %broadcast_in_dim3A_156 = vector.shape_cast %add3A_155 : vector<128xi32> to vector<128x1xi32>
      %broadcast_in_dim3A_157 = vector.shape_cast %reduce_min3A_116 : vector<128xi32> to vector<128x1xi32>
      %eq3A_158 = vector.broadcast %broadcast_in_dim3A_157 : vector<128x1xi32> to vector<128x30xi32>
      %eq3A_159 = arith.cmpi eq, %iota3A, %eq3A_158 : vector<128x30xi32>
      %jit3A_160 = arith.constant 0xFF800000 : f32
      %broadcast_in_dim3A_161 = vector.broadcast %jit3A_160 : f32 to vector<128x30xf32>
      %select_n3A_162 = arith.select %eq3A_159, %broadcast_in_dim3A_161, %select_n3A_106 : vector<128x30xi1>, vector<128x30xf32>
      %reduce_max3A_163 = arith.constant dense<0xFF800000> : vector<128xf32>
      %reduce_max3A_164 = vector.multi_reduction <maximumf>, %select_n3A_162, %reduce_max3A_163 [1] : vector<128x30xf32> to vector<128xf32>
      %broadcast_in_dim3A_165 = vector.shape_cast %reduce_max3A_164 : vector<128xf32> to vector<128x1xf32>
      %eq3A_166 = vector.broadcast %broadcast_in_dim3A_165 : vector<128x1xf32> to vector<128x30xf32>
      %eq3A_167 = arith.cmpf oeq, %select_n3A_162, %eq3A_166 : vector<128x30xf32>
      %jit3A_168 = arith.constant 30 : i32
      %broadcast_in_dim3A_169 = vector.broadcast %jit3A_168 : i32 to vector<128x30xi32>
      %select_n3A_170 = arith.select %eq3A_167, %iota3A, %broadcast_in_dim3A_169 : vector<128x30xi1>, vector<128x30xi32>
      %reduce_min3A_171 = arith.constant dense<2147483647> : vector<128xi32>
      %reduce_min3A_172 = vector.multi_reduction <minsi>, %select_n3A_170, %reduce_min3A_171 [1] : vector<128x30xi32> to vector<128xi32>
      %add3A_173 = arith.constant 0 : i32
      %add3A_174 = vector.broadcast %add3A_173 : i32 to vector<128xi32>
      %add3A_175 = arith.addi %reduce_min3A_172, %add3A_174 : vector<128xi32>
      %broadcast_in_dim3A_176 = vector.shape_cast %add3A_175 : vector<128xi32> to vector<1x128xi32>
      %add3A_177 = arith.constant 30 : i32
      %add3A_178 = vector.broadcast %add3A_177 : i32 to vector<128xi32>
      %add3A_179 = arith.addi %reduce_min3A_172, %add3A_178 : vector<128xi32>
      %broadcast_in_dim3A_180 = vector.shape_cast %add3A_179 : vector<128xi32> to vector<1x128xi32>
      %add3A_181 = arith.constant 60 : i32
      %add3A_182 = vector.broadcast %add3A_181 : i32 to vector<128xi32>
      %add3A_183 = arith.addi %reduce_min3A_172, %add3A_182 : vector<128xi32>
      %broadcast_in_dim3A_184 = vector.shape_cast %add3A_183 : vector<128xi32> to vector<1x128xi32>
      %add3A_185 = arith.constant 90 : i32
      %add3A_186 = vector.broadcast %add3A_185 : i32 to vector<128xi32>
      %add3A_187 = arith.addi %reduce_min3A_172, %add3A_186 : vector<128xi32>
      %broadcast_in_dim3A_188 = vector.shape_cast %add3A_187 : vector<128xi32> to vector<1x128xi32>
      %add3A_189 = arith.constant 120 : i32
      %add3A_190 = vector.broadcast %add3A_189 : i32 to vector<128xi32>
      %add3A_191 = arith.addi %reduce_min3A_172, %add3A_190 : vector<128xi32>
      %broadcast_in_dim3A_192 = vector.shape_cast %add3A_191 : vector<128xi32> to vector<1x128xi32>
      %add3A_193 = arith.constant 0 : i32
      %add3A_194 = vector.broadcast %add3A_193 : i32 to vector<128xi32>
      %add3A_195 = arith.addi %reduce_min3A_172, %add3A_194 : vector<128xi32>
      %broadcast_in_dim3A_196 = vector.shape_cast %add3A_195 : vector<128xi32> to vector<128x1xi32>
      %add3A_197 = arith.constant 30 : i32
      %add3A_198 = vector.broadcast %add3A_197 : i32 to vector<128xi32>
      %add3A_199 = arith.addi %reduce_min3A_172, %add3A_198 : vector<128xi32>
      %broadcast_in_dim3A_200 = vector.shape_cast %add3A_199 : vector<128xi32> to vector<128x1xi32>
      %add3A_201 = arith.constant 60 : i32
      %add3A_202 = vector.broadcast %add3A_201 : i32 to vector<128xi32>
      %add3A_203 = arith.addi %reduce_min3A_172, %add3A_202 : vector<128xi32>
      %broadcast_in_dim3A_204 = vector.shape_cast %add3A_203 : vector<128xi32> to vector<128x1xi32>
      %add3A_205 = arith.constant 90 : i32
      %add3A_206 = vector.broadcast %add3A_205 : i32 to vector<128xi32>
      %add3A_207 = arith.addi %reduce_min3A_172, %add3A_206 : vector<128xi32>
      %broadcast_in_dim3A_208 = vector.shape_cast %add3A_207 : vector<128xi32> to vector<128x1xi32>
      %add3A_209 = arith.constant 120 : i32
      %add3A_210 = vector.broadcast %add3A_209 : i32 to vector<128xi32>
      %add3A_211 = arith.addi %reduce_min3A_172, %add3A_210 : vector<128xi32>
      %broadcast_in_dim3A_212 = vector.shape_cast %add3A_211 : vector<128xi32> to vector<128x1xi32>
      %broadcast_in_dim3A_213 = vector.shape_cast %reduce_min3A_172 : vector<128xi32> to vector<128x1xi32>
      %eq3A_214 = vector.broadcast %broadcast_in_dim3A_213 : vector<128x1xi32> to vector<128x30xi32>
      %eq3A_215 = arith.cmpi eq, %iota3A, %eq3A_214 : vector<128x30xi32>
      %jit3A_216 = arith.constant 0xFF800000 : f32
      %broadcast_in_dim3A_217 = vector.broadcast %jit3A_216 : f32 to vector<128x30xf32>
      %select_n3A_218 = arith.select %eq3A_215, %broadcast_in_dim3A_217, %select_n3A_162 : vector<128x30xi1>, vector<128x30xf32>
      %reduce_max3A_219 = arith.constant dense<0xFF800000> : vector<128xf32>
      %reduce_max3A_220 = vector.multi_reduction <maximumf>, %select_n3A_218, %reduce_max3A_219 [1] : vector<128x30xf32> to vector<128xf32>
      %broadcast_in_dim3A_221 = vector.shape_cast %reduce_max3A_220 : vector<128xf32> to vector<128x1xf32>
      %eq3A_222 = vector.broadcast %broadcast_in_dim3A_221 : vector<128x1xf32> to vector<128x30xf32>
      %eq3A_223 = arith.cmpf oeq, %select_n3A_218, %eq3A_222 : vector<128x30xf32>
      %jit3A_224 = arith.constant 30 : i32
      %broadcast_in_dim3A_225 = vector.broadcast %jit3A_224 : i32 to vector<128x30xi32>
      %select_n3A_226 = arith.select %eq3A_223, %iota3A, %broadcast_in_dim3A_225 : vector<128x30xi1>, vector<128x30xi32>
      %reduce_min3A_227 = arith.constant dense<2147483647> : vector<128xi32>
      %reduce_min3A_228 = vector.multi_reduction <minsi>, %select_n3A_226, %reduce_min3A_227 [1] : vector<128x30xi32> to vector<128xi32>
      %add3A_229 = arith.constant 0 : i32
      %add3A_230 = vector.broadcast %add3A_229 : i32 to vector<128xi32>
      %add3A_231 = arith.addi %reduce_min3A_228, %add3A_230 : vector<128xi32>
      %broadcast_in_dim3A_232 = vector.shape_cast %add3A_231 : vector<128xi32> to vector<1x128xi32>
      %add3A_233 = arith.constant 30 : i32
      %add3A_234 = vector.broadcast %add3A_233 : i32 to vector<128xi32>
      %add3A_235 = arith.addi %reduce_min3A_228, %add3A_234 : vector<128xi32>
      %broadcast_in_dim3A_236 = vector.shape_cast %add3A_235 : vector<128xi32> to vector<1x128xi32>
      %add3A_237 = arith.constant 60 : i32
      %add3A_238 = vector.broadcast %add3A_237 : i32 to vector<128xi32>
      %add3A_239 = arith.addi %reduce_min3A_228, %add3A_238 : vector<128xi32>
      %broadcast_in_dim3A_240 = vector.shape_cast %add3A_239 : vector<128xi32> to vector<1x128xi32>
      %add3A_241 = arith.constant 90 : i32
      %add3A_242 = vector.broadcast %add3A_241 : i32 to vector<128xi32>
      %add3A_243 = arith.addi %reduce_min3A_228, %add3A_242 : vector<128xi32>
      %broadcast_in_dim3A_244 = vector.shape_cast %add3A_243 : vector<128xi32> to vector<1x128xi32>
      %add3A_245 = arith.constant 120 : i32
      %add3A_246 = vector.broadcast %add3A_245 : i32 to vector<128xi32>
      %add3A_247 = arith.addi %reduce_min3A_228, %add3A_246 : vector<128xi32>
      %broadcast_in_dim3A_248 = vector.shape_cast %add3A_247 : vector<128xi32> to vector<1x128xi32>
      %add3A_249 = arith.constant 0 : i32
      %add3A_250 = vector.broadcast %add3A_249 : i32 to vector<128xi32>
      %add3A_251 = arith.addi %reduce_min3A_228, %add3A_250 : vector<128xi32>
      %broadcast_in_dim3A_252 = vector.shape_cast %add3A_251 : vector<128xi32> to vector<128x1xi32>
      %add3A_253 = arith.constant 30 : i32
      %add3A_254 = vector.broadcast %add3A_253 : i32 to vector<128xi32>
      %add3A_255 = arith.addi %reduce_min3A_228, %add3A_254 : vector<128xi32>
      %broadcast_in_dim3A_256 = vector.shape_cast %add3A_255 : vector<128xi32> to vector<128x1xi32>
      %add3A_257 = arith.constant 60 : i32
      %add3A_258 = vector.broadcast %add3A_257 : i32 to vector<128xi32>
      %add3A_259 = arith.addi %reduce_min3A_228, %add3A_258 : vector<128xi32>
      %broadcast_in_dim3A_260 = vector.shape_cast %add3A_259 : vector<128xi32> to vector<128x1xi32>
      %add3A_261 = arith.constant 90 : i32
      %add3A_262 = vector.broadcast %add3A_261 : i32 to vector<128xi32>
      %add3A_263 = arith.addi %reduce_min3A_228, %add3A_262 : vector<128xi32>
      %broadcast_in_dim3A_264 = vector.shape_cast %add3A_263 : vector<128xi32> to vector<128x1xi32>
      %add3A_265 = arith.constant 120 : i32
      %add3A_266 = vector.broadcast %add3A_265 : i32 to vector<128xi32>
      %add3A_267 = arith.addi %reduce_min3A_228, %add3A_266 : vector<128xi32>
      %broadcast_in_dim3A_268 = vector.shape_cast %add3A_267 : vector<128xi32> to vector<128x1xi32>
      %broadcast_in_dim3A_269 = vector.shape_cast %reduce_min3A_228 : vector<128xi32> to vector<128x1xi32>
      %eq3A_270 = vector.broadcast %broadcast_in_dim3A_269 : vector<128x1xi32> to vector<128x30xi32>
      %eq3A_271 = arith.cmpi eq, %iota3A, %eq3A_270 : vector<128x30xi32>
      %jit3A_272 = arith.constant 0xFF800000 : f32
      %broadcast_in_dim3A_273 = vector.broadcast %jit3A_272 : f32 to vector<128x30xf32>
      %select_n3A_274 = arith.select %eq3A_271, %broadcast_in_dim3A_273, %select_n3A_218 : vector<128x30xi1>, vector<128x30xf32>
      %reduce_max3A_275 = arith.constant dense<0xFF800000> : vector<128xf32>
      %reduce_max3A_276 = vector.multi_reduction <maximumf>, %select_n3A_274, %reduce_max3A_275 [1] : vector<128x30xf32> to vector<128xf32>
      %broadcast_in_dim3A_277 = vector.shape_cast %reduce_max3A_276 : vector<128xf32> to vector<128x1xf32>
      %eq3A_278 = vector.broadcast %broadcast_in_dim3A_277 : vector<128x1xf32> to vector<128x30xf32>
      %eq3A_279 = arith.cmpf oeq, %select_n3A_274, %eq3A_278 : vector<128x30xf32>
      %jit3A_280 = arith.constant 30 : i32
      %broadcast_in_dim3A_281 = vector.broadcast %jit3A_280 : i32 to vector<128x30xi32>
      %select_n3A_282 = arith.select %eq3A_279, %iota3A, %broadcast_in_dim3A_281 : vector<128x30xi1>, vector<128x30xi32>
      %reduce_min3A_283 = arith.constant dense<2147483647> : vector<128xi32>
      %reduce_min3A_284 = vector.multi_reduction <minsi>, %select_n3A_282, %reduce_min3A_283 [1] : vector<128x30xi32> to vector<128xi32>
      %add3A_285 = arith.constant 0 : i32
      %add3A_286 = vector.broadcast %add3A_285 : i32 to vector<128xi32>
      %add3A_287 = arith.addi %reduce_min3A_284, %add3A_286 : vector<128xi32>
      %broadcast_in_dim3A_288 = vector.shape_cast %add3A_287 : vector<128xi32> to vector<1x128xi32>
      %add3A_289 = arith.constant 30 : i32
      %add3A_290 = vector.broadcast %add3A_289 : i32 to vector<128xi32>
      %add3A_291 = arith.addi %reduce_min3A_284, %add3A_290 : vector<128xi32>
      %broadcast_in_dim3A_292 = vector.shape_cast %add3A_291 : vector<128xi32> to vector<1x128xi32>
      %add3A_293 = arith.constant 60 : i32
      %add3A_294 = vector.broadcast %add3A_293 : i32 to vector<128xi32>
      %add3A_295 = arith.addi %reduce_min3A_284, %add3A_294 : vector<128xi32>
      %broadcast_in_dim3A_296 = vector.shape_cast %add3A_295 : vector<128xi32> to vector<1x128xi32>
      %add3A_297 = arith.constant 90 : i32
      %add3A_298 = vector.broadcast %add3A_297 : i32 to vector<128xi32>
      %add3A_299 = arith.addi %reduce_min3A_284, %add3A_298 : vector<128xi32>
      %broadcast_in_dim3A_300 = vector.shape_cast %add3A_299 : vector<128xi32> to vector<1x128xi32>
      %add3A_301 = arith.constant 120 : i32
      %add3A_302 = vector.broadcast %add3A_301 : i32 to vector<128xi32>
      %add3A_303 = arith.addi %reduce_min3A_284, %add3A_302 : vector<128xi32>
      %broadcast_in_dim3A_304 = vector.shape_cast %add3A_303 : vector<128xi32> to vector<1x128xi32>
      %add3A_305 = arith.constant 0 : i32
      %add3A_306 = vector.broadcast %add3A_305 : i32 to vector<128xi32>
      %add3A_307 = arith.addi %reduce_min3A_284, %add3A_306 : vector<128xi32>
      %broadcast_in_dim3A_308 = vector.shape_cast %add3A_307 : vector<128xi32> to vector<128x1xi32>
      %add3A_309 = arith.constant 30 : i32
      %add3A_310 = vector.broadcast %add3A_309 : i32 to vector<128xi32>
      %add3A_311 = arith.addi %reduce_min3A_284, %add3A_310 : vector<128xi32>
      %broadcast_in_dim3A_312 = vector.shape_cast %add3A_311 : vector<128xi32> to vector<128x1xi32>
      %add3A_313 = arith.constant 60 : i32
      %add3A_314 = vector.broadcast %add3A_313 : i32 to vector<128xi32>
      %add3A_315 = arith.addi %reduce_min3A_284, %add3A_314 : vector<128xi32>
      %broadcast_in_dim3A_316 = vector.shape_cast %add3A_315 : vector<128xi32> to vector<128x1xi32>
      %add3A_317 = arith.constant 90 : i32
      %add3A_318 = vector.broadcast %add3A_317 : i32 to vector<128xi32>
      %add3A_319 = arith.addi %reduce_min3A_284, %add3A_318 : vector<128xi32>
      %broadcast_in_dim3A_320 = vector.shape_cast %add3A_319 : vector<128xi32> to vector<128x1xi32>
      %add3A_321 = arith.constant 120 : i32
      %add3A_322 = vector.broadcast %add3A_321 : i32 to vector<128xi32>
      %add3A_323 = arith.addi %reduce_min3A_284, %add3A_322 : vector<128xi32>
      %broadcast_in_dim3A_324 = vector.shape_cast %add3A_323 : vector<128xi32> to vector<128x1xi32>
      %broadcast_in_dim3A_325 = arith.constant 0 : i32
      %broadcast_in_dim3A_326 = vector.broadcast %broadcast_in_dim3A_325 : i32 to vector<7x128xi32>
      %broadcast_in_dim3A_327 = arith.constant 0 : i32
      %broadcast_in_dim3A_328 = vector.broadcast %broadcast_in_dim3A_327 : i32 to vector<128x7xi32>
      %concatenate3A = tpu.concatenate %broadcast_in_dim3A_64, %broadcast_in_dim3A_68, %broadcast_in_dim3A_72, %broadcast_in_dim3A_76, %broadcast_in_dim3A_80, %broadcast_in_dim3A_120, %broadcast_in_dim3A_124, %broadcast_in_dim3A_128, %broadcast_in_dim3A_132, %broadcast_in_dim3A_136, %broadcast_in_dim3A_176, %broadcast_in_dim3A_180, %broadcast_in_dim3A_184, %broadcast_in_dim3A_188, %broadcast_in_dim3A_192, %broadcast_in_dim3A_232, %broadcast_in_dim3A_236, %broadcast_in_dim3A_240, %broadcast_in_dim3A_244, %broadcast_in_dim3A_248, %broadcast_in_dim3A_288, %broadcast_in_dim3A_292, %broadcast_in_dim3A_296, %broadcast_in_dim3A_300, %broadcast_in_dim3A_304, %broadcast_in_dim3A_326 in 0 : vector<1x128xi32>, vector<1x128xi32>, vector<1x128xi32>, vector<1x128xi32>, vector<1x128xi32>, vector<1x128xi32>, vector<1x128xi32>, vector<1x128xi32>, vector<1x128xi32>, vector<1x128xi32>, vector<1x128xi32>, vector<1x128xi32>, vector<1x128xi32>, vector<1x128xi32>, vector<1x128xi32>, vector<1x128xi32>, vector<1x128xi32>, vector<1x128xi32>, vector<1x128xi32>, vector<1x128xi32>, vector<1x128xi32>, vector<1x128xi32>, vector<1x128xi32>, vector<1x128xi32>, vector<1x128xi32>, vector<7x128xi32> -> vector<32x128xi32>
      %swap3A = arith.constant 0 : index
      %swap3A_329 = arith.constant 0 : index
      %swap3A_330 = vector.load %arg3[%swap3A, %swap3A_329] : memref<32x128xi32, #tpu.memory_space<vmem>>, vector<32x128xi32>
      tpu.vector_store %arg3[%swap3A, %swap3A_329], %concatenate3A {strides = array<i32>} : memref<32x128xi32, #tpu.memory_space<vmem>>, vector<32x128xi32>,
      %concatenate3A_331 = tpu.concatenate %broadcast_in_dim3A_84, %broadcast_in_dim3A_88, %broadcast_in_dim3A_92, %broadcast_in_dim3A_96, %broadcast_in_dim3A_100, %broadcast_in_dim3A_140, %broadcast_in_dim3A_144, %broadcast_in_dim3A_148, %broadcast_in_dim3A_152, %broadcast_in_dim3A_156, %broadcast_in_dim3A_196, %broadcast_in_dim3A_200, %broadcast_in_dim3A_204, %broadcast_in_dim3A_208, %broadcast_in_dim3A_212, %broadcast_in_dim3A_252, %broadcast_in_dim3A_256, %broadcast_in_dim3A_260, %broadcast_in_dim3A_264, %broadcast_in_dim3A_268, %broadcast_in_dim3A_308, %broadcast_in_dim3A_312, %broadcast_in_dim3A_316, %broadcast_in_dim3A_320, %broadcast_in_dim3A_324, %broadcast_in_dim3A_328 in 1 : vector<128x1xi32>, vector<128x1xi32>, vector<128x1xi32>, vector<128x1xi32>, vector<128x1xi32>, vector<128x1xi32>, vector<128x1xi32>, vector<128x1xi32>, vector<128x1xi32>, vector<128x1xi32>, vector<128x1xi32>, vector<128x1xi32>, vector<128x1xi32>, vector<128x1xi32>, vector<128x1xi32>, vector<128x1xi32>, vector<128x1xi32>, vector<128x1xi32>, vector<128x1xi32>, vector<128x1xi32>, vector<128x1xi32>, vector<128x1xi32>, vector<128x1xi32>, vector<128x1xi32>, vector<128x1xi32>, vector<128x7xi32> -> vector<128x32xi32>
      %swap3A_332 = arith.constant 0 : index
      %swap3A_333 = arith.constant 0 : index
      %swap3A_334 = vector.load %arg4[%swap3A_332, %swap3A_333] : memref<128x32xi32, #tpu.memory_space<vmem>>, vector<128x32xi32>
      tpu.vector_store %arg4[%swap3A_332, %swap3A_333], %concatenate3A_331 {strides = array<i32>} : memref<128x32xi32, #tpu.memory_space<vmem>>, vector<128x32xi32>,
    } else {
    }
    return
  }
  func.func @transform_0(%arg0: i32) -> (i32, i32, i32) {
    %c0_i32 = arith.constant 0 : i32
    %c0_i32_0 = arith.constant 0 : i32
    %c0_i32_1 = arith.constant 0 : i32
    return %arg0, %c0_i32, %c0_i32_0 : i32, i32, i32
  }
  func.func @transform_1(%arg0: i32) -> (i32, i32, i32) {
    %c0_i32 = arith.constant 0 : i32
    %c0_i32_0 = arith.constant 0 : i32
    %c0_i32_1 = arith.constant 0 : i32
    %c0_i32_2 = arith.constant 0 : i32
    return %c0_i32, %c0_i32_0, %c0_i32_1 : i32, i32, i32
  }
  func.func @transform_2(%arg0: i32) -> (i32, i32) {
    %c0_i32 = arith.constant 0 : i32
    %c0_i32_0 = arith.constant 0 : i32
    %c0_i32_1 = arith.constant 0 : i32
    return %c0_i32, %c0_i32_0 : i32, i32
  }
  func.func @transform_3(%arg0: i32) -> (i32, i32) {
    %c0_i32 = arith.constant 0 : i32
    %c0_i32_0 = arith.constant 0 : i32
    %c0_i32_1 = arith.constant 0 : i32
    return %c0_i32, %c0_i32_0 : i32, i32
  }
}

</mosaic_0001>

<sc_bundles>
// kernel: kernel.5.cloned.1.call-start
scs
__scs_entry_jumppad:
0x0: {  	(pc) =	sbr.rel $0x88, $3  }
0x1: {  	(tag) =	ssettag $0x0;
	lr =	simm.s32 $0x1  }
0x2: {  	[smem:$0x3F9F] =	sst lr;
	_ =	strace $0xD0000000  }
0x3: {  	_ = 	snop  }
0x4: {  	_ = 	snop  }
0x5: {  	_ = 	snop  }
0x6: {  	_ = 	snop  }
0x7: {  	_ = 	snop  }
__scs_overlays_trampoline_lowered:
0x8: {  	[smem:$0x3FAE] =	sst s0  }
0x9: {  	[smem:$0x3FAF] =	sst s1  }
0xa: {  	[smem:$0x3FB0] =	sst s2  }
0xb: {  	[smem:$0x3FB1] =	sst s3  }
0xc: {  	[smem:$0x3FB2] =	sst s4  }
0xd: {  	[smem:$0x3FB3] =	sst s5  }
0xe: {  	[smem:$0x3FB4] =	sst s6  }
0xf: {  	[smem:$0x3FB5] =	sst s7  }
0x10: {  	[smem:$0x3FB6] =	sst s8  }
0x11: {  	[smem:$0x3FB7] =	sst s9;
	s0 =	simm.s32 @!p0 $0x0  }
0x12: {  	s1 =	sld [smem:$0x3F9D];
	s0 =	simm.s32 @p0 $0x1  }
0x13: {  	[smem:$0x3FB8] =	sst s0;
	s0 =	simm.s32 @!p1 $0x0  }
0x14: {  	s2 =	sld [smem:$0x3F9C];
	s0 =	simm.s32 @p1 $0x1  }
0x15: {  	[smem:$0x3FB9] =	sst s0;
	s0 =	simm.s32 @!p2 $0x0  }
0x16: {  	s3 =	sld [smem:$0x3FDB];
	s0 =	simm.s32 @p2 $0x1  }
0x17: {  	s4 =	simm.s32 $0x1BF5;
	[smem:$0x3FBB] =	sst s0  }
0x18: {  	s0 =	sld [smem:$0x3F9E];
	_ =	swait.ge [sflag:s4], $0x0  }
0x19: {  	s7 =	sld [smem:$0x3F9F]  }
0x1a: {  	s8 =	sadd.s32 $0xFFFFE003, lr  }
0x1b: {  	s9 =	sadd.s32 $0xFFFFFEF7, lr;
	s5 =	simm.s32 $0xFFFFFFFF;
	p2 =	slt.u32 s8, $0xFFFFF086  }
0x1c: {  	p1 =	slt.u32 s9, $0xF7A;
	s5 =	simm.s32 @!p2 $0x0  }
0x1d: {  	s5 =	simm.s32 @p1 $0x1;
	p0 =	seq.s32 s7, s2  }
0x1e: {  	s7 =	smul.u32 @!p0 $0xF7A, s2;
	p2 =	seq.s32 @!p0 s5, $0x0  }
0x1f: {  	s9 =	smul.u32 $0xF7A, s1;
	s8 =	simm.s32 @!p0 $0x1BF5;
	p2 =	por !p2, p0  }
0x20: {  	[sflag:s8] =	ssyncset.s32 @!p0 $0xFFFFF086;
	s6 =	sadd.s32 @!p0 s3, s7;
	s7 =	simm.s32 @!p0 $0x108  }
0x21: {  	s3 =	sadd.s32 s3, s9;
	s6 =	sadd.s32 @!p0 $0x88, s6;
	s7 =	simm.s32 @p2 $0x1082  }
0x22: {  	[simem:s7], [sflag:s8] =	dma.local @!p0 [hbm:s6], $0xF7A  }
0x23: {  	s9 =	sor.u32 $0xD0000000, s2;
	s6 =	simm.s32 $0x108;
	_ =	swait.ge @!p0 [sflag:s8], $0x0  }
0x24: {  	s3 =	sadd.s32 $0x88, s3;
	s6 =	simm.s32 @!p1 $0x1082;
	[sflag:s4] =	ssyncset.s32 $0xFFFFF086  }
0x25: {  	[simem:s6], [sflag:s4] =	dma.local [hbm:s3], $0xF7A  }
0x26: {  	[smem:$0x3F9F] =	sst s1;
	(tag) =	ssettag s2;
	_ =	strace s9  }
0x27: {  	s1 =	sld [smem:$0x3FAF]  }
0x28: {  	s2 =	sld [smem:$0x3FB0]  }
0x29: {  	s4 =	sld [smem:$0x3FB2]  }
0x2a: {  	p0 =	seq.s32 s5, $0x0;
	s5 =	sld [smem:$0x3FB3]  }
0x2b: {  	s6 =	sld [smem:$0x3FB4]  }
0x2c: {  	s7 =	sld [smem:$0x3FB5]  }
0x2d: {  	s3 =	simm.s32 $0x108;
	s8 =	sld [smem:$0x3FB6]  }
0x2e: {  	s3 =	simm.s32 @!p0 $0x1082;
	s9 =	sld [smem:$0x3FB7]  }
0x2f: {  	lr =	sadd.s32 s0, s3;
	s0 =	sld [smem:$0x3FAE]  }
0x30: {  	s3 =	sld [smem:$0x3FB1]  }
0x31: {  	[smem:$0x3FBA] =	sst s10  }
0x32: {  	s10 =	sld [smem:$0x3FB8];
	_ =	sdelay $0x3  }
0x33: {  	p0 =	seq.s32 s10, $0x1;
	s10 =	sld [smem:$0x3FBA];
	_ =	sdelay $0x3  }
0x34: {  	[smem:$0x3FBA] =	sst s10  }
0x35: {  	s10 =	sld [smem:$0x3FB9];
	_ =	sdelay $0x3  }
0x36: {  	p1 =	seq.s32 s10, $0x1;
	s10 =	sld [smem:$0x3FBA];
	_ =	sdelay $0x3  }
0x37: {  	[smem:$0x3FBA] =	sst s10  }
0x38: {  	s10 =	sld [smem:$0x3FBB]  }
0x39: {  	_ = 	snop;
	(pc) =	sbr.ind lr, $3  }
0x3a: {  	_ = 	snop  }
0x3b: {  	_ = 	snop  }
0x3c: {  	p2 =	seq.s32 s10, $0x1;
	s10 =	sld [smem:$0x3FBA]  }
0x3d: {  	_ =	shalt  }
0x3e: {  	_ =	shalt  }
0x3f: {  	_ =	shalt  }
0x40: {  	_ =	shalt  }
0x41: {  	_ =	shalt  }
0x42: {  	_ =	shalt  }
0x43: {  	_ =	shalt  }
0x44: {  	_ =	shalt  }
0x45: {  	_ =	shalt  }
0x46: {  	_ =	shalt  }
0x47: {  	_ =	shalt  }
0x48: {  	_ =	shalt  }
0x49: {  	_ =	shalt  }
0x4a: {  	_ =	shalt  }
0x4b: {  	_ =	shalt  }
0x4c: {  	_ =	shalt  }
0x4d: {  	_ =	shalt  }
0x4e: {  	_ =	shalt  }
0x4f: {  	_ =	shalt  }
0x50: {  	_ =	shalt  }
0x51: {  	_ =	shalt  }
0x52: {  	_ =	shalt  }
0x53: {  	_ =	shalt  }
0x54: {  	_ =	shalt  }
0x55: {  	_ =	shalt  }
0x56: {  	_ =	shalt  }
0x57: {  	_ =	shalt  }
0x58: {  	_ =	shalt  }
0x59: {  	_ =	shalt  }
0x5a: {  	_ =	shalt  }
0x5b: {  	_ =	shalt  }
0x5c: {  	_ =	shalt  }
0x5d: {  	_ =	shalt  }
0x5e: {  	_ =	shalt  }
0x5f: {  	_ =	shalt  }
0x60: {  	_ =	shalt  }
0x61: {  	_ =	shalt  }
0x62: {  	_ =	shalt  }
0x63: {  	_ =	shalt  }
0x64: {  	_ =	shalt  }
0x65: {  	_ =	shalt  }
0x66: {  	_ =	shalt  }
0x67: {  	_ =	shalt  }
0x68: {  	_ =	shalt  }
0x69: {  	_ =	shalt  }
0x6a: {  	_ =	shalt  }
0x6b: {  	_ =	shalt  }
0x6c: {  	_ =	shalt  }
0x6d: {  	_ =	shalt  }
0x6e: {  	_ =	shalt  }
0x6f: {  	_ =	shalt  }
0x70: {  	_ =	shalt  }
0x71: {  	_ =	shalt  }
0x72: {  	_ =	shalt  }
0x73: {  	_ =	shalt  }
0x74: {  	_ =	shalt  }
0x75: {  	_ =	shalt  }
0x76: {  	_ =	shalt  }
0x77: {  	_ =	shalt  }
0x78: {  	_ =	shalt  }
0x79: {  	_ =	shalt  }
0x7a: {  	_ =	shalt  }
0x7b: {  	_ =	shalt  }
0x7c: {  	_ =	shalt  }
0x7d: {  	_ =	shalt  }
0x7e: {  	_ =	shalt  }
0x7f: {  	_ =	shalt  }
0x80: {  	_ =	shalt  }
0x81: {  	_ =	shalt  }
0x82: {  	_ =	shalt  }
0x83: {  	_ =	shalt  }
0x84: {  	_ =	shalt  }
0x85: {  	_ =	shalt  }
0x86: {  	_ =	shalt  }
0x87: {  	_ =	shalt  }
.Lfunc_end0:
.L_simem_size_0:
called_computation_lowered:
.L_overlay_start_0:
0x88: {  	s2 =	sld [smem:$0x3FD9]  }
0x89: {  	s3 =	sld [smem:$0x3FFE];
	_ =	sdelay $0x1  }
0x8a: {  	s1 =	srdreg.scid  }
0x8b: {  	s0 =	sand.u32 $0x1, s1  }
0x8c: {  	s17 =	sshll.u32 s0, $0xA;
	s2 =	sadd.s32 s3, s2  }
0x8d: {  	s2 =	sadd.s32 s2, s17  }
0x8e: {  	[smem:$0x3FC6] =	sst s2  }
0x8f: {  	_ = 	snop  }
0x90: {  	s2 =	sld [smem:$0x3FD0];
	(tm) =	ssettm $0x1  }
0x91: {  	s18 =	sld [smem:$0x3FFB];
	_ =	sdelay $0x3  }
0x92: {  	_ =	strace s18  }
0x93: {  	s3 =	sld [smem:$0x3FFC];
	_ =	sdelay $0x3  }
0x94: {  	_ =	strace s3  }
0x95: {  	s3 =	sld [smem:$0x3FFD];
	_ =	sdelay $0x3  }
0x96: {  	_ =	strace s3  }
0x97: {  	_ =	strace $0x8FFFFFFF  }
0x98: {  	s19 =	sld [smem:$0x3FDB];
	_ =	sdelay $0x1  }
0x99: {  	s4 =	simm.s32 $_scs_section_size  }
0x9a: {  	s5 =	simm.s32 $_size__tile_overlayer_lowered;
	s6 =	simm.s32 $_tile_overlayer_lowered  }
0x9b: {  	s22 =	simm.s32 $0x1BFF;
	s21 =	sshll.u32 s6, $0x1;
	s3 =	sadd.s32 s4, s19  }
0x9c: {  	s7 =	simm.s32 $0x0;
	s20 =	sshll.u32 s5, $0x1;
	s5 =	sadd.s32 s21, s3  }
0x9d: {  	[timem:s7], [sflag:s22] =	dma.local [hbm:s5], s20  }
0x9e: {  	_ =	swait.ge [sflag:s22], s20  }
0x9f: {  	s4 =	ssub.s32 $0x0, s20;
	[sflag:s22] =	ssyncset.done $0x0  }
0xa0: {  	[sflag:s22] =	ssyncadd.s32 s4;
	_ =	sdelay $0x1  }
0xa1: {  	s23 =	simm.s32 $0x1B8B  }
0xa2: {  	_ =	swait.ge [sflag:s23], $0x1  }
0xa3: {  	[sflag:s23] =	ssyncset.done $0x0  }
0xa4: {  	s25 =	simm.s32 $0x1B8E;
	s24 =	sld [smem:$0x3FFE];
	[sflag:s23] =	ssyncadd.s32 $0xFFFFFFFF  }
0xa5: {  	s26 =	simm.s32 $execute0_lowered;
	[smem:$0x3FD2] =	sst s25  }
0xa6: {  	s5 =	sshll.u32 s26, $0x1;
	_ =	strace $0x80000046;
	[dreg:$0x1] =	wrdreg $0xFFFFFFFF  }
0xa7: {  	s28 =	simm.s32 $_size_execute0_lowered;
	s3 =	sadd.s32 s3, s5;
	[dreg:$0x0] =	wrdreg $0x0  }
0xa8: {  	s5 =	sshll.u32 s28, $0x1;
	[dreg:$0x2] =	wrdreg s3  }
0xa9: {  	[dreg:$0x3] =	wrdreg s5  }
0xaa: {  	[dreg:$0x4] =	wrdreg $0xC0  }
0xab: {  	_ =	task [dreg:s7], $0x5FFFF  }
0xac: {  	[dreg:$0x1] =	wrdreg $0xFFFFFFFF  }
0xad: {  	[dreg:$0x0] =	wrdreg $0x60  }
0xae: {  	[dreg:$0x2] =	wrdreg s24  }
0xaf: {  	[dreg:$0x3] =	wrdreg s2  }
0xb0: {  	[dreg:$0x4] =	wrdreg $0x9  }
0xb1: {  	_ =	task.clear_ibuf [dreg:s7], $0x5FFFF;
	_ =	strace $0x90000046  }
0xb2: {  	s29 =	simm.s32 $0x9;
	_ =	strace $0x80000048  }
0xb3: {  	_ =	swait.ge [sflag:s29], $0x1  }
0xb4: {  	[sflag:s29] =	ssyncadd.s32 $0xFFFFFFFF  }
0xb5: {  	_ =	strace $0x90000048  }
0xb6: {  	_ =	sfence  }
0xb7: {  	s30 =	sld [smem:$0x0];
	_ =	sdelay $0x2  }
0xb8: {  	s31 =	sshll.u32 s1, $0xD;
	s1 =	sshrl.u32 s1, $0x2  }
0xb9: {  	s3 =	sand.u32 $0x4000, s31;
	s1 =	sadd.s32 s1, s30  }
0xba: {  	s0 =	sor.u32 s3, s0;
	s1 =	sshll.u32 s1, $0x11  }
0xbb: {  	s0 =	sor.u32 s1, s0  }
0xbc: {  	s0 =	sadd.s32 $0x8F2B, s0  }
0xbd: {  	[sflag:s0] =	ssyncadd.remote.s32 $0x1  }
0xbe: {  	_ =	sfence.sel $0xFFFF  }
0xbf: {  	[dreg:$0x0] =	wrdreg $0xFFFFFFFF;
	(pc) =	sbr.abs _section_cstart, $3  }
0xc0: {  	[dreg:$0x1] =	wrdreg $0xFFFFFFFF  }
0xc1: {  	_ =	task.clear_ibuf [dreg:s7], $0x2FFFF;
	_ =	strace $0x9FFFFFFF  }
0xc2: {  	(tm) =	ssettm $0x7FFFFFFF  }
0xc3: {  	_ =	shalt  }
tec
execute0_lowered:
.L_overlay_start_1:
0x0: {  	(tag) =	ssettag $0x1  }
0x1: {  	s1 =	stileid.u32  }
0x2: {  	p0 =	sgt.u32 s1, $0x9  }
.Ltmp0:
0x3: {  	_ = 	snop;
	(pc) =	sbr.rel @p0 .LBB2_3-.Ltmp0, $4  }
0x4: {  	_ = 	snop  }
0x5: {  	s6 =	rddreg [dreg:$0x0];
	s2 =	simm.s32 $0x0  }
0x6: {  	[smem:$0x7FF] =	sst s2  }
0x7: {  	s0 =	rddreg [dreg:$0x1];
	_ =	strace $0x80000047  }
0x8: {  	s3 =	srdreg.scid  }
0x9: {  	s1 =	stileid.u32;
	s11 =	sadd.s32 $0x4600, s6;
	s5 =	sadd.s32 $0xD00, s6  }
0xa: {  	s25 =	simm.s32 $0x880;
	s26 =	simm.s32 $0x1080;
	s12 =	simm.s32 $0x2880  }
0xb: {  	s13 =	simm.s32 $0x3080;
	s14 =	simm.s32 $0x3880;
	s15 =	simm.s32 $0x4080  }
0xc: {  	s16 =	simm.s32 $0x4880;
	s17 =	simm.s32 $0x5080;
	s18 =	simm.s32 $0x5880  }
0xd: {  	s19 =	simm.s32 $0x6080;
	s20 =	simm.s32 $0x6880;
	s21 =	simm.s32 $0x7080  }
0xe: {  	s22 =	simm.s32 $0x7880;
	s28 =	simm.s32 $0xA080;
	s29 =	simm.s32 $0xA880  }
0xf: {  	s30 =	simm.s32 $0xB080;
	s31 =	simm.s32 $0xB880;
	s7 =	sadd.s32 $0xF, s1  }
0x10: {  	s8 =	sand.u32 $0x1, s3;
	s3 =	sadd.s32 $0xC00, s6;
	[dreg:$0x5] =	wrdreg s25  }
0x11: {  	s6 =	sadd.s32 $0xE00, s6;
	[dreg:$0x6] =	wrdreg s26;
	s9 =	smul.u32 $0x18000, s7  }
0x12: {  	s25 =	simm.s32 $0x9080;
	s26 =	simm.s32 $0x9880;
	s10 =	smul.u32 $0xC000, s8  }
0x13: {  	s4 =	sshll.u32 s8, $0x6;
	s8 =	ssub.s32 $0x2, s8;
	s7 =	sshll.u32 s7, $0x4  }
0x14: {  	s23 =	sshrl.u32 s8, $0x1;
	s7 =	sadd.s32 s11, s7;
	s11 =	simm.s32 $0x2080  }
0x15: {  	s9 =	sadd.s32 s10, s9;
	s24 =	ssub.s32 s8, s23;
	[dreg:$0x4] =	wrdreg s7  }
0x16: {  	v2 =	vlaneseq.u32;
	s8 =	simm.s32 $0x2;
	s23 =	simm.s32 $0x8080;
	s9 =	sshrl.u32 s9, $0x3  }
0x17: {  	vm0 =	vmmov $0xffff;
	v1 =	vshrl.u32 v2, $0x3;
	s7 =	smax.u32 s24, $0x1;
	s24 =	simm.s32 $0x8880;
	s0 =	sadd.s32 s0, s9  }
0x18: {  	v0 =	vand.u32 $0x7, v2;
	v2 =	vor.u32 $0x8, v2;
	v1 =	vmul.u32 $0x8, v1;
	s9 =	simm.s32 $0x80;
	[dreg:$0x3] =	wrdreg s0;
	s0 =	simm.s32 $0x1  }
.LBB2_2:
0x19: {  	s1 =	rddreg [dreg:$0x4]  }
0x1a: {  	[tilespmem:s2], [sflag:$0x2] =	stream.linear.gather [hbm4b:s1+s2], $0x80, $0x38;
	[tilespmem:$0xC080] =	vst v63  }
0x1b: {  	_ =	swait.ge [sflag:s8], $0x80  }
0x1c: {  	[sflag:s8] =	ssyncset.done $0x0  }
0x1d: {  	[sflag:s8] =	ssyncadd.s32 $0xFFFFFF80  }
0x1e: {  	v3 =	vld [tilespmem:s4+$0x0];
	_ =	sdelay $0x4  }
0x1f: {  	v4 =	vshrl.u32 v3, $0x3  }
0x20: {  	v4 =	vmul.u32 $0x30, v4  }
0x21: {  	v3 =	vand.u32 $0x7, v3  }
0x22: {  	v3 =	vor.u32 v3, v4  }
0x23: {  	v4 =	vperm.xlane v3, v0;
	_ =	sdelay $0x1  }
0x24: {  	v4 =	vadd.s32 v1, v4;
	_ =	sdelay $0x3  }
0x25: {  	v3 =	vperm.xlane v3, v2  }
0x26: {  	[tilespmem:s9], [sflag:$0x1] =	stream.indirect_vreg.gather [hbm4b:s3+s2], $0x80, v4, vm0, $0xb8;
	[tilespmem:$0xC080] =	vst v63  }
0x27: {  	s1 =	rddreg [dreg:$0x5];
	v3 =	vadd.s32 v1, v3  }
0x28: {  	[tilespmem:s1], [sflag:$0x1] =	stream.indirect_vreg.gather [hbm4b:s5+s2], $0x80, v4, vm0, $0xb8;
	[tilespmem:$0xC080] =	vst v63  }
0x29: {  	s10 =	rddreg [dreg:$0x6]  }
0x2a: {  	[tilespmem:s10], [sflag:$0x1] =	stream.indirect_vreg.gather [hbm4b:s6+s2], $0x80, v4, vm0, $0xb8;
	[tilespmem:$0xC080] =	vst v63  }
0x2b: {  	s10 =	simm.s32 $0x1880  }
0x2c: {  	[tilespmem:s10], [sflag:$0x1] =	stream.indirect_vreg.gather [hbm4b:s3+s2], $0x80, v3, vm0, $0xb8;
	[tilespmem:$0xC080] =	vst v63  }
0x2d: {  	_ = 	snop  }
0x2e: {  	[tilespmem:s11], [sflag:$0x1] =	stream.indirect_vreg.gather [hbm4b:s5+s2], $0x80, v3, vm0, $0xb8;
	[tilespmem:$0xC080] =	vst v63  }
0x2f: {  	_ = 	snop  }
0x30: {  	[tilespmem:s12], [sflag:$0x1] =	stream.indirect_vreg.gather [hbm4b:s6+s2], $0x80, v3, vm0, $0xb8;
	[tilespmem:$0xC080] =	vst v63  }
0x31: {  	v3 =	vld [tilespmem:s4+$0x10];
	_ =	sdelay $0x4  }
0x32: {  	v61 =	vshrl.u32 v3, $0x3  }
0x33: {  	v4 =	vmul.u32 $0x30, v61  }
0x34: {  	v3 =	vand.u32 $0x7, v3  }
0x35: {  	v3 =	vor.u32 v3, v4  }
0x36: {  	v4 =	vperm.xlane v3, v0;
	_ =	sdelay $0x1  }
0x37: {  	v4 =	vadd.s32 v1, v4;
	_ =	sdelay $0x3  }
0x38: {  	v3 =	vperm.xlane v3, v2  }
0x39: {  	[tilespmem:s13], [sflag:$0x1] =	stream.indirect_vreg.gather [hbm4b:s3+s2], $0x80, v4, vm0, $0xb8;
	[tilespmem:$0xC080] =	vst v63  }
0x3a: {  	v3 =	vadd.s32 v1, v3  }
0x3b: {  	[tilespmem:s14], [sflag:$0x1] =	stream.indirect_vreg.gather [hbm4b:s5+s2], $0x80, v4, vm0, $0xb8;
	[tilespmem:$0xC080] =	vst v63  }
0x3c: {  	_ = 	snop  }
0x3d: {  	[tilespmem:s15], [sflag:$0x1] =	stream.indirect_vreg.gather [hbm4b:s6+s2], $0x80, v4, vm0, $0xb8;
	[tilespmem:$0xC080] =	vst v63  }
0x3e: {  	_ = 	snop  }
0x3f: {  	[tilespmem:s16], [sflag:$0x1] =	stream.indirect_vreg.gather [hbm4b:s3+s2], $0x80, v3, vm0, $0xb8;
	[tilespmem:$0xC080] =	vst v63  }
0x40: {  	_ = 	snop  }
0x41: {  	[tilespmem:s17], [sflag:$0x1] =	stream.indirect_vreg.gather [hbm4b:s5+s2], $0x80, v3, vm0, $0xb8;
	[tilespmem:$0xC080] =	vst v63  }
0x42: {  	_ = 	snop  }
0x43: {  	[tilespmem:s18], [sflag:$0x1] =	stream.indirect_vreg.gather [hbm4b:s6+s2], $0x80, v3, vm0, $0xb8;
	[tilespmem:$0xC080] =	vst v63  }
0x44: {  	v3 =	vld [tilespmem:s4+$0x20];
	_ =	sdelay $0x4  }
0x45: {  	v62 =	vshrl.u32 v3, $0x3  }
0x46: {  	v4 =	vmul.u32 $0x30, v62  }
0x47: {  	v3 =	vand.u32 $0x7, v3  }
0x48: {  	v3 =	vor.u32 v3, v4  }
0x49: {  	v4 =	vperm.xlane v3, v0;
	_ =	sdelay $0x1  }
0x4a: {  	v4 =	vadd.s32 v1, v4;
	_ =	sdelay $0x3  }
0x4b: {  	v3 =	vperm.xlane v3, v2  }
0x4c: {  	[tilespmem:s19], [sflag:$0x1] =	stream.indirect_vreg.gather [hbm4b:s3+s2], $0x80, v4, vm0, $0xb8;
	[tilespmem:$0xC080] =	vst v63  }
0x4d: {  	v3 =	vadd.s32 v1, v3  }
0x4e: {  	[tilespmem:s20], [sflag:$0x1] =	stream.indirect_vreg.gather [hbm4b:s5+s2], $0x80, v4, vm0, $0xb8;
	[tilespmem:$0xC080] =	vst v63  }
0x4f: {  	_ = 	snop  }
0x50: {  	[tilespmem:s21], [sflag:$0x1] =	stream.indirect_vreg.gather [hbm4b:s6+s2], $0x80, v4, vm0, $0xb8;
	[tilespmem:$0xC080] =	vst v63  }
0x51: {  	_ = 	snop  }
0x52: {  	[tilespmem:s22], [sflag:$0x1] =	stream.indirect_vreg.gather [hbm4b:s3+s2], $0x80, v3, vm0, $0xb8;
	[tilespmem:$0xC080] =	vst v63  }
0x53: {  	_ = 	snop  }
0x54: {  	[tilespmem:s23], [sflag:$0x1] =	stream.indirect_vreg.gather [hbm4b:s5+s2], $0x80, v3, vm0, $0xb8;
	[tilespmem:$0xC080] =	vst v63  }
0x55: {  	_ = 	snop  }
0x56: {  	[tilespmem:s24], [sflag:$0x1] =	stream.indirect_vreg.gather [hbm4b:s6+s2], $0x80, v3, vm0, $0xb8;
	[tilespmem:$0xC080] =	vst v63  }
0x57: {  	v3 =	vld [tilespmem:s4+$0x30];
	_ =	sdelay $0x4  }
0x58: {  	v63 =	vshrl.u32 v3, $0x3  }
0x59: {  	v4 =	vmul.u32 $0x30, v63  }
0x5a: {  	v3 =	vand.u32 $0x7, v3  }
0x5b: {  	v3 =	vor.u32 v3, v4  }
0x5c: {  	v4 =	vperm.xlane v3, v0;
	_ =	sdelay $0x1  }
0x5d: {  	v4 =	vadd.s32 v1, v4;
	_ =	sdelay $0x3  }
0x5e: {  	v3 =	vperm.xlane v3, v2  }
0x5f: {  	[tilespmem:s25], [sflag:$0x1] =	stream.indirect_vreg.gather [hbm4b:s3+s2], $0x80, v4, vm0, $0xb8;
	[tilespmem:$0xC080] =	vst v63  }
0x60: {  	v3 =	vadd.s32 v1, v3  }
0x61: {  	[tilespmem:s26], [sflag:$0x1] =	stream.indirect_vreg.gather [hbm4b:s5+s2], $0x80, v4, vm0, $0xb8;
	[tilespmem:$0xC080] =	vst v63  }
0x62: {  	_ = 	snop  }
0x63: {  	[tilespmem:s28], [sflag:$0x1] =	stream.indirect_vreg.gather [hbm4b:s6+s2], $0x80, v4, vm0, $0xb8;
	[tilespmem:$0xC080] =	vst v63  }
0x64: {  	_ = 	snop  }
0x65: {  	[tilespmem:s29], [sflag:$0x1] =	stream.indirect_vreg.gather [hbm4b:s3+s2], $0x80, v3, vm0, $0xb8;
	[tilespmem:$0xC080] =	vst v63  }
0x66: {  	_ = 	snop  }
0x67: {  	[tilespmem:s30], [sflag:$0x1] =	stream.indirect_vreg.gather [hbm4b:s5+s2], $0x80, v3, vm0, $0xb8;
	[tilespmem:$0xC080] =	vst v63  }
0x68: {  	_ = 	snop  }
0x69: {  	[tilespmem:s31], [sflag:$0x1] =	stream.indirect_vreg.gather [hbm4b:s6+s2], $0x80, v3, vm0, $0xb8;
	[tilespmem:$0xC080] =	vst v63  }
0x6a: {  	_ =	swait.ge [sflag:s0], $0xC000  }
0x6b: {  	p0 =	sne.s32 s7, $0x1;
	[sflag:s0] =	ssyncset.done $0x0  }
.Ltmp1:
0x6c: {  	s10 =	rddreg [dreg:$0x3];
	[sflag:s0] =	ssyncadd.s32 $0xFFFF4000;
	(pc) =	sbr.rel @p0 .LBB2_2-.Ltmp1, $4  }
0x6d: {  	[hbm4b:s10+s2] =	stream.linear.scatter [tilespmem:s9], [sflag:$0x2], $0xC000, $0x38;
	[tilespmem:$0xC080] =	vst v63  }
0x6e: {  	_ =	swait.ge [sflag:s8], $0xC000  }
0x6f: {  	[sflag:s8] =	ssyncset.done $0x0  }
0x70: {  	s7 =	sadd.s32 $0xFFFFFFFF, s7;
	[sflag:s8] =	ssyncadd.s32 $0xFFFF4000  }
.LBB2_3:
0x71: {  	_ =	sfence.sel $0x180000  }
0x72: {  	[bflag:$0x0] =	sbarrier.arrive $0xFFFF  }
0x73: {  	_ =	strace $0x90000047  }
0x74: {  	s0 =	stileid.u32;
	[bflag:$0x2] =	sbarrier.arrive $0xFFFF  }
0x75: {  	p0 =	sne.s32 s0, $0x0;
	s0 =	rddreg [dreg:$0x2]  }
0x76: {  	s0 =	sadd.s32 @!p0 $0x100000, s0  }
0x77: {  	[sflag:s0] =	ssyncadd.tile.s32 @!p0 $0x1;
	_ =	shalt  }
.Lfunc_end2:
_tile_overlayer_lowered:
.L_overlay_start_2:
0x78: {  	(tag) =	ssettag $0x2  }
0x79: {  	s0 =	rddreg [dreg:$0x0];
	s2 =	stileid.u32  }
0x7a: {  	s1 =	rddreg [dreg:$0x1];
	p0 =	sne.s32 s2, $0x0  }
0x7b: {  	s3 =	rddreg [dreg:$0x2];
	[bflag:$0x3] =	sbarrier.arrive $0xFFFF;
	s2 =	simm.s32 @!p0 $0x1C02  }
0x7c: {  	[timem:s3], [sflag:s2] =	dma.local @!p0 [hbm:s0], s1  }
0x7d: {  	s0 =	simm.s32 @!p0 $0x2  }
0x7e: {  	_ =	swait.ge @!p0 [sflag:s0], s1  }
0x7f: {  	s1 =	ssub.s32 @!p0 $0x0, s1;
	[sflag:s0] =	ssyncset.done @!p0 $0x0  }
0x80: {  	[sflag:s0] =	ssyncadd.s32 @!p0 s1  }
0x81: {  	[bflag:$0x3] =	sbarrier.arrive $0xFFFF  }
0x82: {  	_ =	shalt  }

</sc_bundles>
